<compile_context>
chip_gen: v7x
topology: tpu7x:2x2x1
jax: 0.10.2.dev20260603
libtpu: 0.0.44.dev20260713+nightly
codegen_flags: <defaults>
</compile_context>

<pallas_src>
import functools

import jax
import jax.numpy as jnp
from jax import lax
from jax.experimental import pallas as pl
from jax.experimental.pallas import tpu as pltpu
from jax.experimental.pallas import tpu_sc as plsc

_K = 8192
_SHAPE = (4096, 4096)
_N = _SHAPE[0] * _SHAPE[1]

_NC = 2
_NS = 16
_NW = _NC * _NS
_LANES = 16

_BR = 8
_BC = 1024
_BLK = _BR * _BC
_NBLK = _N // _BLK
_PER_W = _NBLK // _NW
_CPR = _SHAPE[1] // _BC
_NBUF = 4
_CSHIFT = (_BC // _LANES - 1).bit_length()
_CMASK = (1 << _CSHIFT) - 1


def _sc_body(cent_hbm, idx_hbm, mask_hbm, out_hbm, cent_ref, *rest):
    idx_bufs = rest[0:_NBUF]
    mask_bufs = rest[_NBUF:2 * _NBUF]
    out_bufs = rest[2 * _NBUF:3 * _NBUF]
    sem_in = rest[3 * _NBUF:4 * _NBUF]
    sem_out = rest[4 * _NBUF:5 * _NBUF]

    wid = lax.axis_index("s") * _NC + lax.axis_index("c")
    base_q = wid * _PER_W

    pltpu.sync_copy(cent_hbm, cent_ref)

    def block_slice(ref, q):
        rb = (q // _CPR) * _BR
        cb = (q % _CPR) * _BC
        return ref.at[pl.ds(rb, _BR), pl.ds(cb, _BC)]

    def start_in(q, b):
        pltpu.async_copy(block_slice(idx_hbm, q), idx_bufs[b], sem_in[b])
        pltpu.async_copy(block_slice(mask_hbm, q), mask_bufs[b], sem_in[b])

    for b in range(_NBUF):
        start_in(base_q + b, b)

    def outer(g, carry):
        for b in range(_NBUF):
            q = base_q + _NBUF * g + b
            ib, mb, ob = idx_bufs[b], mask_bufs[b], out_bufs[b]

            pltpu.make_async_copy(block_slice(idx_hbm, q), ib,
                                  sem_in[b]).wait()
            pltpu.make_async_copy(block_slice(mask_hbm, q), mb,
                                  sem_in[b]).wait()

            @pl.when(g > 0)
            def _():
                pltpu.make_async_copy(ob, block_slice(out_hbm, q - _NBUF),
                                      sem_out[b]).wait()

            @plsc.parallel_loop(0, _BLK // _LANES, 1, unroll=16)
            def _(qq):
                r = qq >> _CSHIFT
                off = (qq & _CMASK) * _LANES
                iv = ib[r, pl.ds(off, _LANES)]
                sv = jnp.maximum(iv, 0)
                g16 = plsc.load_gather(cent_ref, [sv])
                ob[r, pl.ds(off, _LANES)] = g16 * mb[r, pl.ds(off, _LANES)]

            pltpu.async_copy(ob, block_slice(out_hbm, q), sem_out[b])

            @pl.when(g < _PER_W // _NBUF - 1)
            def _():
                start_in(q + _NBUF, b)
        return carry

    lax.fori_loop(0, _PER_W // _NBUF, outer, 0)

    for b in range(_NBUF):
        last = base_q + _PER_W - _NBUF + b
        pltpu.make_async_copy(out_bufs[b], block_slice(out_hbm, last),
                              sem_out[b]).wait()


def kernel(cent, idx, mask):
    mesh = plsc.VectorSubcoreMesh(core_axis_name="c", subcore_axis_name="s")
    out = pl.kernel(
        _sc_body,
        mesh=mesh,
        compiler_params=pltpu.CompilerParams(
            needs_layout_passes=False,
            use_tc_tiling_on_sc=True,
        ),
        out_type=jax.ShapeDtypeStruct(_SHAPE, jnp.float32),
        scratch_types=[
            pltpu.VMEM((_K,), jnp.float32),
            *[pltpu.VMEM((_BR, _BC), jnp.int32) for _ in range(_NBUF)],
            *[pltpu.VMEM((_BR, _BC), jnp.float32) for _ in range(_NBUF)],
            *[pltpu.VMEM((_BR, _BC), jnp.float32) for _ in range(_NBUF)],
            *[pltpu.SemaphoreType.DMA for _ in range(2 * _NBUF)],
        ],
    )(cent, idx, mask)
    return out

# --- scband reference (transcript-rebuilt; emitter-appended) ---
"""Pipeline reference for scband-centroid-registry-54374285967848 (READ-ONLY COPY).

The authoritative reference and input builder live on the scoring server;
editing this copy changes nothing except your own understanding.
"""

import jax, jax.numpy as jnp
import numpy as np

K = 8192
SHAPE = (4096, 4096)

def setup_inputs(seed: int = 0) -> dict:
    key = jax.random.key(seed)
    k1, k2, k3 = jax.random.split(key, 3)
    # learned scalar centroids (the nn.Parameter '<name>_cent')
    cent = jax.random.normal(k1, (K,), dtype=jnp.float32)
    # int32 index buffer, one codebook index per weight element; include some -1
    # entries to exercise the negative-index clamping path of reconstruct_param
    idx = jax.random.randint(k2, SHAPE, -1, K, dtype=jnp.int32)
    # float pruning mask buffer (0/1)
    mask = (jax.random.uniform(k3, SHAPE, dtype=jnp.float32) > 0.3).astype(jnp.float32)
    return {"cent": cent, "idx": idx, "mask": mask}

def reference(cent, idx, mask):
    # Faithful translation of CentroidRegistry.reconstruct_param('layer0'):
    #   idx_flat = idx.view(-1)
    #   safe_idx = idx_flat.clone(); safe_idx[safe_idx < 0] = 0
    #   gathered = cent[safe_idx].view(shape)
    #   reconstructed = gathered * mask
    idx_flat = idx.reshape(-1)
    safe_idx = jnp.where(idx_flat < 0, 0, idx_flat)
    gathered = jnp.take(cent, safe_idx, axis=0).reshape(SHAPE)
    reconstructed = gathered * mask
    return reconstructed

if __name__ == "__main__":
    import jax
    _d = setup_inputs()
    print(jax.jit(kernel)(*tuple(_d.values())))

</pallas_src>

<mosaic_0001>
#map = affine_map<(d0, d1) -> (0)>
#map1 = affine_map<(d0, d1) -> (0, 0)>
module attributes {stable_mosaic.version = 14 : i64} {
  func.func @_sc_body(%arg0: i32, %arg1: i32, %arg2: memref<8192xf32, #tpu.memory_space<hbm>>, %arg3: memref<4096x4096xi32, #tpu.memory_space<hbm>>, %arg4: memref<4096x4096xf32, #tpu.memory_space<hbm>>, %arg5: memref<4096x4096xf32, #tpu.memory_space<hbm>>, %arg6: memref<8192xf32, #tpu.memory_space<vmem>>, %arg7: memref<8x1024xi32, #tpu.memory_space<vmem>>, %arg8: memref<8x1024xi32, #tpu.memory_space<vmem>>, %arg9: memref<8x1024xi32, #tpu.memory_space<vmem>>, %arg10: memref<8x1024xi32, #tpu.memory_space<vmem>>, %arg11: memref<8x1024xf32, #tpu.memory_space<vmem>>, %arg12: memref<8x1024xf32, #tpu.memory_space<vmem>>, %arg13: memref<8x1024xf32, #tpu.memory_space<vmem>>, %arg14: memref<8x1024xf32, #tpu.memory_space<vmem>>, %arg15: memref<8x1024xf32, #tpu.memory_space<vmem>>, %arg16: memref<8x1024xf32, #tpu.memory_space<vmem>>, %arg17: memref<8x1024xf32, #tpu.memory_space<vmem>>, %arg18: memref<8x1024xf32, #tpu.memory_space<vmem>>, %arg19: memref<!tpu.dma_semaphore, #tpu.memory_space<semaphore_mem>>, %arg20: memref<!tpu.dma_semaphore, #tpu.memory_space<semaphore_mem>>, %arg21: memref<!tpu.dma_semaphore, #tpu.memory_space<semaphore_mem>>, %arg22: memref<!tpu.dma_semaphore, #tpu.memory_space<semaphore_mem>>, %arg23: memref<!tpu.dma_semaphore, #tpu.memory_space<semaphore_mem>>, %arg24: memref<!tpu.dma_semaphore, #tpu.memory_space<semaphore_mem>>, %arg25: memref<!tpu.dma_semaphore, #tpu.memory_space<semaphore_mem>>, %arg26: memref<!tpu.dma_semaphore, #tpu.memory_space<semaphore_mem>>) attributes {dimension_semantics = [#tpu.dimension_semantics<core_parallel>, #tpu.dimension_semantics<subcore_parallel>], iteration_bounds = array<i64: 2, 16>, scalar_prefetch = 0 : i64, scratch_operands = 21 : i64, tpu.core_type = #tpu.core_type<sc_vector_subcore>, window_params = [{transform_indices = #map}, {transform_indices = #map1}, {transform_indices = #map1}, {transform_indices = #map1}]} {
    %mul3A = arith.constant 2 : i32
    %mul3A_0 = arith.muli %arg1, %mul3A : i32
    %add3A = arith.addi %mul3A_0, %arg0 : i32
    %mul3A_1 = arith.constant 64 : i32
    %mul3A_2 = arith.muli %add3A, %mul3A_1 : i32
    "tpu.region"() ({
      %run_scoped3A = tpu.sem_alloc : memref<!tpu.dma_semaphore, #tpu.memory_space<semaphore_mem>>
      tpu.enqueue_dma source(%arg2 : memref<8192xf32, #tpu.memory_space<hbm>>) target(%arg6 : memref<8192xf32, #tpu.memory_space<vmem>>) target_semaphore(%run_scoped3A : memref<!tpu.dma_semaphore, #tpu.memory_space<semaphore_mem>>)
      tpu.wait_dma2 semaphore(%run_scoped3A : memref<!tpu.dma_semaphore, #tpu.memory_space<semaphore_mem>>) src(%arg2 : memref<8192xf32, #tpu.memory_space<hbm>>) dst(%arg6 : memref<8192xf32, #tpu.memory_space<vmem>>)
      tpu.yield
    }) : () -> ()
    %add3A_3 = arith.constant 0 : i32
    %add3A_4 = arith.addi %mul3A_2, %add3A_3 : i32
    %jit3A = arith.constant 4 : i32
    %div3A = arith.divsi %add3A_4, %jit3A : i32
    %sign3A = arith.constant 0 : i32
    %sign3A_5 = arith.cmpi sgt, %add3A_4, %sign3A : i32
    %sign3A_6 = arith.extui %sign3A_5 : i1 to i32
    %sign3A_7 = arith.constant 0 : i32
    %sign3A_8 = arith.cmpi slt, %add3A_4, %sign3A_7 : i32
    %sign3A_9 = arith.extui %sign3A_8 : i1 to i32
    %sign3A_10 = arith.subi %sign3A_6, %sign3A_9 : i32
    %sign3A_11 = arith.constant 0 : i32
    %sign3A_12 = arith.cmpi sgt, %jit3A, %sign3A_11 : i32
    %sign3A_13 = arith.extui %sign3A_12 : i1 to i32
    %sign3A_14 = arith.constant 0 : i32
    %sign3A_15 = arith.cmpi slt, %jit3A, %sign3A_14 : i32
    %sign3A_16 = arith.extui %sign3A_15 : i1 to i32
    %sign3A_17 = arith.subi %sign3A_13, %sign3A_16 : i32
    %ne3A = arith.cmpi ne, %sign3A_10, %sign3A_17 : i32
    %rem3A = arith.remsi %add3A_4, %jit3A : i32
    %ne3A_18 = arith.constant 0 : i32
    %ne3A_19 = arith.cmpi ne, %rem3A, %ne3A_18 : i32
    %and3A = arith.andi %ne3A, %ne3A_19 : i1
    %sub3A = arith.constant 1 : i32
    %sub3A_20 = arith.subi %div3A, %sub3A : i32
    %select_n3A = arith.select %and3A, %sub3A_20, %div3A : i32
    %mul3A_21 = arith.constant 8 : i32
    %mul3A_22 = arith.muli %select_n3A, %mul3A_21 : i32
    %jit3A_23 = arith.constant 4 : i32
    %eq3A = arith.constant 0 : i32
    %eq3A_24 = arith.cmpi eq, %jit3A_23, %eq3A : i32
    %jit3A_25 = arith.constant 1 : i32
    %select_n3A_26 = arith.select %eq3A_24, %jit3A_25, %jit3A_23 : i32
    %rem3A_27 = arith.remsi %add3A_4, %select_n3A_26 : i32
    %ne3A_28 = arith.constant 0 : i32
    %ne3A_29 = arith.cmpi ne, %rem3A_27, %ne3A_28 : i32
    %lt3A = arith.constant 0 : i32
    %lt3A_30 = arith.cmpi slt, %rem3A_27, %lt3A : i32
    %lt3A_31 = arith.constant 0 : i32
    %lt3A_32 = arith.cmpi slt, %select_n3A_26, %lt3A_31 : i32
    %ne3A_33 = arith.xori %lt3A_30, %lt3A_32 : i1
    %and3A_34 = arith.andi %ne3A_33, %ne3A_29 : i1
    %add3A_35 = arith.addi %rem3A_27, %select_n3A_26 : i32
    %select_n3A_36 = arith.select %and3A_34, %add3A_35, %rem3A_27 : i32
    %mul3A_37 = arith.constant 1024 : i32
    %mul3A_38 = arith.muli %select_n3A_36, %mul3A_37 : i32
    %dma_start3A = tpu.memref_slice %arg3[%mul3A_22, %mul3A_38] : memref<4096x4096xi32, #tpu.memory_space<hbm>> -> memref<8x1024xi32, #tpu.memory_space<hbm>>
    %dma_start3A_39 = tpu.memref_slice %arg3[%mul3A_22, %mul3A_38] : memref<4096x4096xi32, #tpu.memory_space<hbm>> -> memref<8x1024xi32, #tpu.memory_space<hbm>>
    tpu.enqueue_dma source(%dma_start3A_39 : memref<8x1024xi32, #tpu.memory_space<hbm>>) target(%arg7 : memref<8x1024xi32, #tpu.memory_space<vmem>>) target_semaphore(%arg19 : memref<!tpu.dma_semaphore, #tpu.memory_space<semaphore_mem>>)
    %jit3A_40 = arith.constant 4 : i32
    %div3A_41 = arith.divsi %add3A_4, %jit3A_40 : i32
    %sign3A_42 = arith.constant 0 : i32
    %sign3A_43 = arith.cmpi sgt, %add3A_4, %sign3A_42 : i32
    %sign3A_44 = arith.extui %sign3A_43 : i1 to i32
    %sign3A_45 = arith.constant 0 : i32
    %sign3A_46 = arith.cmpi slt, %add3A_4, %sign3A_45 : i32
    %sign3A_47 = arith.extui %sign3A_46 : i1 to i32
    %sign3A_48 = arith.subi %sign3A_44, %sign3A_47 : i32
    %sign3A_49 = arith.constant 0 : i32
    %sign3A_50 = arith.cmpi sgt, %jit3A_40, %sign3A_49 : i32
    %sign3A_51 = arith.extui %sign3A_50 : i1 to i32
    %sign3A_52 = arith.constant 0 : i32
    %sign3A_53 = arith.cmpi slt, %jit3A_40, %sign3A_52 : i32
    %sign3A_54 = arith.extui %sign3A_53 : i1 to i32
    %sign3A_55 = arith.subi %sign3A_51, %sign3A_54 : i32
    %ne3A_56 = arith.cmpi ne, %sign3A_48, %sign3A_55 : i32
    %rem3A_57 = arith.remsi %add3A_4, %jit3A_40 : i32
    %ne3A_58 = arith.constant 0 : i32
    %ne3A_59 = arith.cmpi ne, %rem3A_57, %ne3A_58 : i32
    %and3A_60 = arith.andi %ne3A_56, %ne3A_59 : i1
    %sub3A_61 = arith.constant 1 : i32
    %sub3A_62 = arith.subi %div3A_41, %sub3A_61 : i32
    %select_n3A_63 = arith.select %and3A_60, %sub3A_62, %div3A_41 : i32
    %mul3A_64 = arith.constant 8 : i32
    %mul3A_65 = arith.muli %select_n3A_63, %mul3A_64 : i32
    %jit3A_66 = arith.constant 4 : i32
    %eq3A_67 = arith.constant 0 : i32
    %eq3A_68 = arith.cmpi eq, %jit3A_66, %eq3A_67 : i32
    %jit3A_69 = arith.constant 1 : i32
    %select_n3A_70 = arith.select %eq3A_68, %jit3A_69, %jit3A_66 : i32
    %rem3A_71 = arith.remsi %add3A_4, %select_n3A_70 : i32
    %ne3A_72 = arith.constant 0 : i32
    %ne3A_73 = arith.cmpi ne, %rem3A_71, %ne3A_72 : i32
    %lt3A_74 = arith.constant 0 : i32
    %lt3A_75 = arith.cmpi slt, %rem3A_71, %lt3A_74 : i32
    %lt3A_76 = arith.constant 0 : i32
    %lt3A_77 = arith.cmpi slt, %select_n3A_70, %lt3A_76 : i32
    %ne3A_78 = arith.xori %lt3A_75, %lt3A_77 : i1
    %and3A_79 = arith.andi %ne3A_78, %ne3A_73 : i1
    %add3A_80 = arith.addi %rem3A_71, %select_n3A_70 : i32
    %select_n3A_81 = arith.select %and3A_79, %add3A_80, %rem3A_71 : i32
    %mul3A_82 = arith.constant 1024 : i32
    %mul3A_83 = arith.muli %select_n3A_81, %mul3A_82 : i32
    %dma_start3A_84 = tpu.memref_slice %arg4[%mul3A_65, %mul3A_83] : memref<4096x4096xf32, #tpu.memory_space<hbm>> -> memref<8x1024xf32, #tpu.memory_space<hbm>>
    %dma_start3A_85 = tpu.memref_slice %arg4[%mul3A_65, %mul3A_83] : memref<4096x4096xf32, #tpu.memory_space<hbm>> -> memref<8x1024xf32, #tpu.memory_space<hbm>>
    tpu.enqueue_dma source(%dma_start3A_85 : memref<8x1024xf32, #tpu.memory_space<hbm>>) target(%arg11 : memref<8x1024xf32, #tpu.memory_space<vmem>>) target_semaphore(%arg19 : memref<!tpu.dma_semaphore, #tpu.memory_space<semaphore_mem>>)
    %add3A_86 = arith.constant 1 : i32
    %add3A_87 = arith.addi %mul3A_2, %add3A_86 : i32
    %jit3A_88 = arith.constant 4 : i32
    %div3A_89 = arith.divsi %add3A_87, %jit3A_88 : i32
    %sign3A_90 = arith.constant 0 : i32
    %sign3A_91 = arith.cmpi sgt, %add3A_87, %sign3A_90 : i32
    %sign3A_92 = arith.extui %sign3A_91 : i1 to i32
    %sign3A_93 = arith.constant 0 : i32
    %sign3A_94 = arith.cmpi slt, %add3A_87, %sign3A_93 : i32
    %sign3A_95 = arith.extui %sign3A_94 : i1 to i32
    %sign3A_96 = arith.subi %sign3A_92, %sign3A_95 : i32
    %sign3A_97 = arith.constant 0 : i32
    %sign3A_98 = arith.cmpi sgt, %jit3A_88, %sign3A_97 : i32
    %sign3A_99 = arith.extui %sign3A_98 : i1 to i32
    %sign3A_100 = arith.constant 0 : i32
    %sign3A_101 = arith.cmpi slt, %jit3A_88, %sign3A_100 : i32
    %sign3A_102 = arith.extui %sign3A_101 : i1 to i32
    %sign3A_103 = arith.subi %sign3A_99, %sign3A_102 : i32
    %ne3A_104 = arith.cmpi ne, %sign3A_96, %sign3A_103 : i32
    %rem3A_105 = arith.remsi %add3A_87, %jit3A_88 : i32
    %ne3A_106 = arith.constant 0 : i32
    %ne3A_107 = arith.cmpi ne, %rem3A_105, %ne3A_106 : i32
    %and3A_108 = arith.andi %ne3A_104, %ne3A_107 : i1
    %sub3A_109 = arith.constant 1 : i32
    %sub3A_110 = arith.subi %div3A_89, %sub3A_109 : i32
    %select_n3A_111 = arith.select %and3A_108, %sub3A_110, %div3A_89 : i32
    %mul3A_112 = arith.constant 8 : i32
    %mul3A_113 = arith.muli %select_n3A_111, %mul3A_112 : i32
    %jit3A_114 = arith.constant 4 : i32
    %eq3A_115 = arith.constant 0 : i32
    %eq3A_116 = arith.cmpi eq, %jit3A_114, %eq3A_115 : i32
    %jit3A_117 = arith.constant 1 : i32
    %select_n3A_118 = arith.select %eq3A_116, %jit3A_117, %jit3A_114 : i32
    %rem3A_119 = arith.remsi %add3A_87, %select_n3A_118 : i32
    %ne3A_120 = arith.constant 0 : i32
    %ne3A_121 = arith.cmpi ne, %rem3A_119, %ne3A_120 : i32
    %lt3A_122 = arith.constant 0 : i32
    %lt3A_123 = arith.cmpi slt, %rem3A_119, %lt3A_122 : i32
    %lt3A_124 = arith.constant 0 : i32
    %lt3A_125 = arith.cmpi slt, %select_n3A_118, %lt3A_124 : i32
    %ne3A_126 = arith.xori %lt3A_123, %lt3A_125 : i1
    %and3A_127 = arith.andi %ne3A_126, %ne3A_121 : i1
    %add3A_128 = arith.addi %rem3A_119, %select_n3A_118 : i32
    %select_n3A_129 = arith.select %and3A_127, %add3A_128, %rem3A_119 : i32
    %mul3A_130 = arith.constant 1024 : i32
    %mul3A_131 = arith.muli %select_n3A_129, %mul3A_130 : i32
    %dma_start3A_132 = tpu.memref_slice %arg3[%mul3A_113, %mul3A_131] : memref<4096x4096xi32, #tpu.memory_space<hbm>> -> memref<8x1024xi32, #tpu.memory_space<hbm>>
    %dma_start3A_133 = tpu.memref_slice %arg3[%mul3A_113, %mul3A_131] : memref<4096x4096xi32, #tpu.memory_space<hbm>> -> memref<8x1024xi32, #tpu.memory_space<hbm>>
    tpu.enqueue_dma source(%dma_start3A_133 : memref<8x1024xi32, #tpu.memory_space<hbm>>) target(%arg8 : memref<8x1024xi32, #tpu.memory_space<vmem>>) target_semaphore(%arg20 : memref<!tpu.dma_semaphore, #tpu.memory_space<semaphore_mem>>)
    %jit3A_134 = arith.constant 4 : i32
    %div3A_135 = arith.divsi %add3A_87, %jit3A_134 : i32
    %sign3A_136 = arith.constant 0 : i32
    %sign3A_137 = arith.cmpi sgt, %add3A_87, %sign3A_136 : i32
    %sign3A_138 = arith.extui %sign3A_137 : i1 to i32
    %sign3A_139 = arith.constant 0 : i32
    %sign3A_140 = arith.cmpi slt, %add3A_87, %sign3A_139 : i32
    %sign3A_141 = arith.extui %sign3A_140 : i1 to i32
    %sign3A_142 = arith.subi %sign3A_138, %sign3A_141 : i32
    %sign3A_143 = arith.constant 0 : i32
    %sign3A_144 = arith.cmpi sgt, %jit3A_134, %sign3A_143 : i32
    %sign3A_145 = arith.extui %sign3A_144 : i1 to i32
    %sign3A_146 = arith.constant 0 : i32
    %sign3A_147 = arith.cmpi slt, %jit3A_134, %sign3A_146 : i32
    %sign3A_148 = arith.extui %sign3A_147 : i1 to i32
    %sign3A_149 = arith.subi %sign3A_145, %sign3A_148 : i32
    %ne3A_150 = arith.cmpi ne, %sign3A_142, %sign3A_149 : i32
    %rem3A_151 = arith.remsi %add3A_87, %jit3A_134 : i32
    %ne3A_152 = arith.constant 0 : i32
    %ne3A_153 = arith.cmpi ne, %rem3A_151, %ne3A_152 : i32
    %and3A_154 = arith.andi %ne3A_150, %ne3A_153 : i1
    %sub3A_155 = arith.constant 1 : i32
    %sub3A_156 = arith.subi %div3A_135, %sub3A_155 : i32
    %select_n3A_157 = arith.select %and3A_154, %sub3A_156, %div3A_135 : i32
    %mul3A_158 = arith.constant 8 : i32
    %mul3A_159 = arith.muli %select_n3A_157, %mul3A_158 : i32
    %jit3A_160 = arith.constant 4 : i32
    %eq3A_161 = arith.constant 0 : i32
    %eq3A_162 = arith.cmpi eq, %jit3A_160, %eq3A_161 : i32
    %jit3A_163 = arith.constant 1 : i32
    %select_n3A_164 = arith.select %eq3A_162, %jit3A_163, %jit3A_160 : i32
    %rem3A_165 = arith.remsi %add3A_87, %select_n3A_164 : i32
    %ne3A_166 = arith.constant 0 : i32
    %ne3A_167 = arith.cmpi ne, %rem3A_165, %ne3A_166 : i32
    %lt3A_168 = arith.constant 0 : i32
    %lt3A_169 = arith.cmpi slt, %rem3A_165, %lt3A_168 : i32
    %lt3A_170 = arith.constant 0 : i32
    %lt3A_171 = arith.cmpi slt, %select_n3A_164, %lt3A_170 : i32
    %ne3A_172 = arith.xori %lt3A_169, %lt3A_171 : i1
    %and3A_173 = arith.andi %ne3A_172, %ne3A_167 : i1
    %add3A_174 = arith.addi %rem3A_165, %select_n3A_164 : i32
    %select_n3A_175 = arith.select %and3A_173, %add3A_174, %rem3A_165 : i32
    %mul3A_176 = arith.constant 1024 : i32
    %mul3A_177 = arith.muli %select_n3A_175, %mul3A_176 : i32
    %dma_start3A_178 = tpu.memref_slice %arg4[%mul3A_159, %mul3A_177] : memref<4096x4096xf32, #tpu.memory_space<hbm>> -> memref<8x1024xf32, #tpu.memory_space<hbm>>
    %dma_start3A_179 = tpu.memref_slice %arg4[%mul3A_159, %mul3A_177] : memref<4096x4096xf32, #tpu.memory_space<hbm>> -> memref<8x1024xf32, #tpu.memory_space<hbm>>
    tpu.enqueue_dma source(%dma_start3A_179 : memref<8x1024xf32, #tpu.memory_space<hbm>>) target(%arg12 : memref<8x1024xf32, #tpu.memory_space<vmem>>) target_semaphore(%arg20 : memref<!tpu.dma_semaphore, #tpu.memory_space<semaphore_mem>>)
    %add3A_180 = arith.constant 2 : i32
    %add3A_181 = arith.addi %mul3A_2, %add3A_180 : i32
    %jit3A_182 = arith.constant 4 : i32
    %div3A_183 = arith.divsi %add3A_181, %jit3A_182 : i32
    %sign3A_184 = arith.constant 0 : i32
    %sign3A_185 = arith.cmpi sgt, %add3A_181, %sign3A_184 : i32
    %sign3A_186 = arith.extui %sign3A_185 : i1 to i32
    %sign3A_187 = arith.constant 0 : i32
    %sign3A_188 = arith.cmpi slt, %add3A_181, %sign3A_187 : i32
    %sign3A_189 = arith.extui %sign3A_188 : i1 to i32
    %sign3A_190 = arith.subi %sign3A_186, %sign3A_189 : i32
    %sign3A_191 = arith.constant 0 : i32
    %sign3A_192 = arith.cmpi sgt, %jit3A_182, %sign3A_191 : i32
    %sign3A_193 = arith.extui %sign3A_192 : i1 to i32
    %sign3A_194 = arith.constant 0 : i32
    %sign3A_195 = arith.cmpi slt, %jit3A_182, %sign3A_194 : i32
    %sign3A_196 = arith.extui %sign3A_195 : i1 to i32
    %sign3A_197 = arith.subi %sign3A_193, %sign3A_196 : i32
    %ne3A_198 = arith.cmpi ne, %sign3A_190, %sign3A_197 : i32
    %rem3A_199 = arith.remsi %add3A_181, %jit3A_182 : i32
    %ne3A_200 = arith.constant 0 : i32
    %ne3A_201 = arith.cmpi ne, %rem3A_199, %ne3A_200 : i32
    %and3A_202 = arith.andi %ne3A_198, %ne3A_201 : i1
    %sub3A_203 = arith.constant 1 : i32
    %sub3A_204 = arith.subi %div3A_183, %sub3A_203 : i32
    %select_n3A_205 = arith.select %and3A_202, %sub3A_204, %div3A_183 : i32
    %mul3A_206 = arith.constant 8 : i32
    %mul3A_207 = arith.muli %select_n3A_205, %mul3A_206 : i32
    %jit3A_208 = arith.constant 4 : i32
    %eq3A_209 = arith.constant 0 : i32
    %eq3A_210 = arith.cmpi eq, %jit3A_208, %eq3A_209 : i32
    %jit3A_211 = arith.constant 1 : i32
    %select_n3A_212 = arith.select %eq3A_210, %jit3A_211, %jit3A_208 : i32
    %rem3A_213 = arith.remsi %add3A_181, %select_n3A_212 : i32
    %ne3A_214 = arith.constant 0 : i32
    %ne3A_215 = arith.cmpi ne, %rem3A_213, %ne3A_214 : i32
    %lt3A_216 = arith.constant 0 : i32
    %lt3A_217 = arith.cmpi slt, %rem3A_213, %lt3A_216 : i32
    %lt3A_218 = arith.constant 0 : i32
    %lt3A_219 = arith.cmpi slt, %select_n3A_212, %lt3A_218 : i32
    %ne3A_220 = arith.xori %lt3A_217, %lt3A_219 : i1
    %and3A_221 = arith.andi %ne3A_220, %ne3A_215 : i1
    %add3A_222 = arith.addi %rem3A_213, %select_n3A_212 : i32
    %select_n3A_223 = arith.select %and3A_221, %add3A_222, %rem3A_213 : i32
    %mul3A_224 = arith.constant 1024 : i32
    %mul3A_225 = arith.muli %select_n3A_223, %mul3A_224 : i32
    %dma_start3A_226 = tpu.memref_slice %arg3[%mul3A_207, %mul3A_225] : memref<4096x4096xi32, #tpu.memory_space<hbm>> -> memref<8x1024xi32, #tpu.memory_space<hbm>>
    %dma_start3A_227 = tpu.memref_slice %arg3[%mul3A_207, %mul3A_225] : memref<4096x4096xi32, #tpu.memory_space<hbm>> -> memref<8x1024xi32, #tpu.memory_space<hbm>>
    tpu.enqueue_dma source(%dma_start3A_227 : memref<8x1024xi32, #tpu.memory_space<hbm>>) target(%arg9 : memref<8x1024xi32, #tpu.memory_space<vmem>>) target_semaphore(%arg21 : memref<!tpu.dma_semaphore, #tpu.memory_space<semaphore_mem>>)
    %jit3A_228 = arith.constant 4 : i32
    %div3A_229 = arith.divsi %add3A_181, %jit3A_228 : i32
    %sign3A_230 = arith.constant 0 : i32
    %sign3A_231 = arith.cmpi sgt, %add3A_181, %sign3A_230 : i32
    %sign3A_232 = arith.extui %sign3A_231 : i1 to i32
    %sign3A_233 = arith.constant 0 : i32
    %sign3A_234 = arith.cmpi slt, %add3A_181, %sign3A_233 : i32
    %sign3A_235 = arith.extui %sign3A_234 : i1 to i32
    %sign3A_236 = arith.subi %sign3A_232, %sign3A_235 : i32
    %sign3A_237 = arith.constant 0 : i32
    %sign3A_238 = arith.cmpi sgt, %jit3A_228, %sign3A_237 : i32
    %sign3A_239 = arith.extui %sign3A_238 : i1 to i32
    %sign3A_240 = arith.constant 0 : i32
    %sign3A_241 = arith.cmpi slt, %jit3A_228, %sign3A_240 : i32
    %sign3A_242 = arith.extui %sign3A_241 : i1 to i32
    %sign3A_243 = arith.subi %sign3A_239, %sign3A_242 : i32
    %ne3A_244 = arith.cmpi ne, %sign3A_236, %sign3A_243 : i32
    %rem3A_245 = arith.remsi %add3A_181, %jit3A_228 : i32
    %ne3A_246 = arith.constant 0 : i32
    %ne3A_247 = arith.cmpi ne, %rem3A_245, %ne3A_246 : i32
    %and3A_248 = arith.andi %ne3A_244, %ne3A_247 : i1
    %sub3A_249 = arith.constant 1 : i32
    %sub3A_250 = arith.subi %div3A_229, %sub3A_249 : i32
    %select_n3A_251 = arith.select %and3A_248, %sub3A_250, %div3A_229 : i32
    %mul3A_252 = arith.constant 8 : i32
    %mul3A_253 = arith.muli %select_n3A_251, %mul3A_252 : i32
    %jit3A_254 = arith.constant 4 : i32
    %eq3A_255 = arith.constant 0 : i32
    %eq3A_256 = arith.cmpi eq, %jit3A_254, %eq3A_255 : i32
    %jit3A_257 = arith.constant 1 : i32
    %select_n3A_258 = arith.select %eq3A_256, %jit3A_257, %jit3A_254 : i32
    %rem3A_259 = arith.remsi %add3A_181, %select_n3A_258 : i32
    %ne3A_260 = arith.constant 0 : i32
    %ne3A_261 = arith.cmpi ne, %rem3A_259, %ne3A_260 : i32
    %lt3A_262 = arith.constant 0 : i32
    %lt3A_263 = arith.cmpi slt, %rem3A_259, %lt3A_262 : i32
    %lt3A_264 = arith.constant 0 : i32
    %lt3A_265 = arith.cmpi slt, %select_n3A_258, %lt3A_264 : i32
    %ne3A_266 = arith.xori %lt3A_263, %lt3A_265 : i1
    %and3A_267 = arith.andi %ne3A_266, %ne3A_261 : i1
    %add3A_268 = arith.addi %rem3A_259, %select_n3A_258 : i32
    %select_n3A_269 = arith.select %and3A_267, %add3A_268, %rem3A_259 : i32
    %mul3A_270 = arith.constant 1024 : i32
    %mul3A_271 = arith.muli %select_n3A_269, %mul3A_270 : i32
    %dma_start3A_272 = tpu.memref_slice %arg4[%mul3A_253, %mul3A_271] : memref<4096x4096xf32, #tpu.memory_space<hbm>> -> memref<8x1024xf32, #tpu.memory_space<hbm>>
    %dma_start3A_273 = tpu.memref_slice %arg4[%mul3A_253, %mul3A_271] : memref<4096x4096xf32, #tpu.memory_space<hbm>> -> memref<8x1024xf32, #tpu.memory_space<hbm>>
    tpu.enqueue_dma source(%dma_start3A_273 : memref<8x1024xf32, #tpu.memory_space<hbm>>) target(%arg13 : memref<8x1024xf32, #tpu.memory_space<vmem>>) target_semaphore(%arg21 : memref<!tpu.dma_semaphore, #tpu.memory_space<semaphore_mem>>)
    %add3A_274 = arith.constant 3 : i32
    %add3A_275 = arith.addi %mul3A_2, %add3A_274 : i32
    %jit3A_276 = arith.constant 4 : i32
    %div3A_277 = arith.divsi %add3A_275, %jit3A_276 : i32
    %sign3A_278 = arith.constant 0 : i32
    %sign3A_279 = arith.cmpi sgt, %add3A_275, %sign3A_278 : i32
    %sign3A_280 = arith.extui %sign3A_279 : i1 to i32
    %sign3A_281 = arith.constant 0 : i32
    %sign3A_282 = arith.cmpi slt, %add3A_275, %sign3A_281 : i32
    %sign3A_283 = arith.extui %sign3A_282 : i1 to i32
    %sign3A_284 = arith.subi %sign3A_280, %sign3A_283 : i32
    %sign3A_285 = arith.constant 0 : i32
    %sign3A_286 = arith.cmpi sgt, %jit3A_276, %sign3A_285 : i32
    %sign3A_287 = arith.extui %sign3A_286 : i1 to i32
    %sign3A_288 = arith.constant 0 : i32
    %sign3A_289 = arith.cmpi slt, %jit3A_276, %sign3A_288 : i32
    %sign3A_290 = arith.extui %sign3A_289 : i1 to i32
    %sign3A_291 = arith.subi %sign3A_287, %sign3A_290 : i32
    %ne3A_292 = arith.cmpi ne, %sign3A_284, %sign3A_291 : i32
    %rem3A_293 = arith.remsi %add3A_275, %jit3A_276 : i32
    %ne3A_294 = arith.constant 0 : i32
    %ne3A_295 = arith.cmpi ne, %rem3A_293, %ne3A_294 : i32
    %and3A_296 = arith.andi %ne3A_292, %ne3A_295 : i1
    %sub3A_297 = arith.constant 1 : i32
    %sub3A_298 = arith.subi %div3A_277, %sub3A_297 : i32
    %select_n3A_299 = arith.select %and3A_296, %sub3A_298, %div3A_277 : i32
    %mul3A_300 = arith.constant 8 : i32
    %mul3A_301 = arith.muli %select_n3A_299, %mul3A_300 : i32
    %jit3A_302 = arith.constant 4 : i32
    %eq3A_303 = arith.constant 0 : i32
    %eq3A_304 = arith.cmpi eq, %jit3A_302, %eq3A_303 : i32
    %jit3A_305 = arith.constant 1 : i32
    %select_n3A_306 = arith.select %eq3A_304, %jit3A_305, %jit3A_302 : i32
    %rem3A_307 = arith.remsi %add3A_275, %select_n3A_306 : i32
    %ne3A_308 = arith.constant 0 : i32
    %ne3A_309 = arith.cmpi ne, %rem3A_307, %ne3A_308 : i32
    %lt3A_310 = arith.constant 0 : i32
    %lt3A_311 = arith.cmpi slt, %rem3A_307, %lt3A_310 : i32
    %lt3A_312 = arith.constant 0 : i32
    %lt3A_313 = arith.cmpi slt, %select_n3A_306, %lt3A_312 : i32
    %ne3A_314 = arith.xori %lt3A_311, %lt3A_313 : i1
    %and3A_315 = arith.andi %ne3A_314, %ne3A_309 : i1
    %add3A_316 = arith.addi %rem3A_307, %select_n3A_306 : i32
    %select_n3A_317 = arith.select %and3A_315, %add3A_316, %rem3A_307 : i32
    %mul3A_318 = arith.constant 1024 : i32
    %mul3A_319 = arith.muli %select_n3A_317, %mul3A_318 : i32
    %dma_start3A_320 = tpu.memref_slice %arg3[%mul3A_301, %mul3A_319] : memref<4096x4096xi32, #tpu.memory_space<hbm>> -> memref<8x1024xi32, #tpu.memory_space<hbm>>
    %dma_start3A_321 = tpu.memref_slice %arg3[%mul3A_301, %mul3A_319] : memref<4096x4096xi32, #tpu.memory_space<hbm>> -> memref<8x1024xi32, #tpu.memory_space<hbm>>
    tpu.enqueue_dma source(%dma_start3A_321 : memref<8x1024xi32, #tpu.memory_space<hbm>>) target(%arg10 : memref<8x1024xi32, #tpu.memory_space<vmem>>) target_semaphore(%arg22 : memref<!tpu.dma_semaphore, #tpu.memory_space<semaphore_mem>>)
    %jit3A_322 = arith.constant 4 : i32
    %div3A_323 = arith.divsi %add3A_275, %jit3A_322 : i32
    %sign3A_324 = arith.constant 0 : i32
    %sign3A_325 = arith.cmpi sgt, %add3A_275, %sign3A_324 : i32
    %sign3A_326 = arith.extui %sign3A_325 : i1 to i32
    %sign3A_327 = arith.constant 0 : i32
    %sign3A_328 = arith.cmpi slt, %add3A_275, %sign3A_327 : i32
    %sign3A_329 = arith.extui %sign3A_328 : i1 to i32
    %sign3A_330 = arith.subi %sign3A_326, %sign3A_329 : i32
    %sign3A_331 = arith.constant 0 : i32
    %sign3A_332 = arith.cmpi sgt, %jit3A_322, %sign3A_331 : i32
    %sign3A_333 = arith.extui %sign3A_332 : i1 to i32
    %sign3A_334 = arith.constant 0 : i32
    %sign3A_335 = arith.cmpi slt, %jit3A_322, %sign3A_334 : i32
    %sign3A_336 = arith.extui %sign3A_335 : i1 to i32
    %sign3A_337 = arith.subi %sign3A_333, %sign3A_336 : i32
    %ne3A_338 = arith.cmpi ne, %sign3A_330, %sign3A_337 : i32
    %rem3A_339 = arith.remsi %add3A_275, %jit3A_322 : i32
    %ne3A_340 = arith.constant 0 : i32
    %ne3A_341 = arith.cmpi ne, %rem3A_339, %ne3A_340 : i32
    %and3A_342 = arith.andi %ne3A_338, %ne3A_341 : i1
    %sub3A_343 = arith.constant 1 : i32
    %sub3A_344 = arith.subi %div3A_323, %sub3A_343 : i32
    %select_n3A_345 = arith.select %and3A_342, %sub3A_344, %div3A_323 : i32
    %mul3A_346 = arith.constant 8 : i32
    %mul3A_347 = arith.muli %select_n3A_345, %mul3A_346 : i32
    %jit3A_348 = arith.constant 4 : i32
    %eq3A_349 = arith.constant 0 : i32
    %eq3A_350 = arith.cmpi eq, %jit3A_348, %eq3A_349 : i32
    %jit3A_351 = arith.constant 1 : i32
    %select_n3A_352 = arith.select %eq3A_350, %jit3A_351, %jit3A_348 : i32
    %rem3A_353 = arith.remsi %add3A_275, %select_n3A_352 : i32
    %ne3A_354 = arith.constant 0 : i32
    %ne3A_355 = arith.cmpi ne, %rem3A_353, %ne3A_354 : i32
    %lt3A_356 = arith.constant 0 : i32
    %lt3A_357 = arith.cmpi slt, %rem3A_353, %lt3A_356 : i32
    %lt3A_358 = arith.constant 0 : i32
    %lt3A_359 = arith.cmpi slt, %select_n3A_352, %lt3A_358 : i32
    %ne3A_360 = arith.xori %lt3A_357, %lt3A_359 : i1
    %and3A_361 = arith.andi %ne3A_360, %ne3A_355 : i1
    %add3A_362 = arith.addi %rem3A_353, %select_n3A_352 : i32
    %select_n3A_363 = arith.select %and3A_361, %add3A_362, %rem3A_353 : i32
    %mul3A_364 = arith.constant 1024 : i32
    %mul3A_365 = arith.muli %select_n3A_363, %mul3A_364 : i32
    %dma_start3A_366 = tpu.memref_slice %arg4[%mul3A_347, %mul3A_365] : memref<4096x4096xf32, #tpu.memory_space<hbm>> -> memref<8x1024xf32, #tpu.memory_space<hbm>>
    %dma_start3A_367 = tpu.memref_slice %arg4[%mul3A_347, %mul3A_365] : memref<4096x4096xf32, #tpu.memory_space<hbm>> -> memref<8x1024xf32, #tpu.memory_space<hbm>>
    tpu.enqueue_dma source(%dma_start3A_367 : memref<8x1024xf32, #tpu.memory_space<hbm>>) target(%arg14 : memref<8x1024xf32, #tpu.memory_space<vmem>>) target_semaphore(%arg22 : memref<!tpu.dma_semaphore, #tpu.memory_space<semaphore_mem>>)
    %scan3A = arith.constant 0 : i32
    %scan3A_368 = arith.constant 0 : i32
    %scan3A_369 = arith.constant 16 : i32
    %scan3A_370 = arith.addi %scan3A_368, %scan3A_369 : i32
    %scan3A_371 = arith.constant 1 : i32
    scf.for %scan3A_580 = %scan3A_368 to %scan3A_370 step %scan3A_371  : i32 {
      %mul3A_581 = arith.constant 4 : i32
      %mul3A_582 = arith.muli %mul3A_581, %scan3A_580 : i32
      %add3A_583 = arith.addi %mul3A_2, %mul3A_582 : i32
      %add3A_584 = arith.constant 0 : i32
      %add3A_585 = arith.addi %add3A_583, %add3A_584 : i32
      %jit3A_586 = arith.constant 4 : i32
      %div3A_587 = arith.divsi %add3A_585, %jit3A_586 : i32
      %sign3A_588 = arith.constant 0 : i32
      %sign3A_589 = arith.cmpi sgt, %add3A_585, %sign3A_588 : i32
      %sign3A_590 = arith.extui %sign3A_589 : i1 to i32
      %sign3A_591 = arith.constant 0 : i32
      %sign3A_592 = arith.cmpi slt, %add3A_585, %sign3A_591 : i32
      %sign3A_593 = arith.extui %sign3A_592 : i1 to i32
      %sign3A_594 = arith.subi %sign3A_590, %sign3A_593 : i32
      %sign3A_595 = arith.constant 0 : i32
      %sign3A_596 = arith.cmpi sgt, %jit3A_586, %sign3A_595 : i32
      %sign3A_597 = arith.extui %sign3A_596 : i1 to i32
      %sign3A_598 = arith.constant 0 : i32
      %sign3A_599 = arith.cmpi slt, %jit3A_586, %sign3A_598 : i32
      %sign3A_600 = arith.extui %sign3A_599 : i1 to i32
      %sign3A_601 = arith.subi %sign3A_597, %sign3A_600 : i32
      %ne3A_602 = arith.cmpi ne, %sign3A_594, %sign3A_601 : i32
      %rem3A_603 = arith.remsi %add3A_585, %jit3A_586 : i32
      %ne3A_604 = arith.constant 0 : i32
      %ne3A_605 = arith.cmpi ne, %rem3A_603, %ne3A_604 : i32
      %and3A_606 = arith.andi %ne3A_602, %ne3A_605 : i1
      %sub3A_607 = arith.constant 1 : i32
      %sub3A_608 = arith.subi %div3A_587, %sub3A_607 : i32
      %select_n3A_609 = arith.select %and3A_606, %sub3A_608, %div3A_587 : i32
      %mul3A_610 = arith.constant 8 : i32
      %mul3A_611 = arith.muli %select_n3A_609, %mul3A_610 : i32
      %jit3A_612 = arith.constant 4 : i32
      %eq3A_613 = arith.constant 0 : i32
      %eq3A_614 = arith.cmpi eq, %jit3A_612, %eq3A_613 : i32
      %jit3A_615 = arith.constant 1 : i32
      %select_n3A_616 = arith.select %eq3A_614, %jit3A_615, %jit3A_612 : i32
      %rem3A_617 = arith.remsi %add3A_585, %select_n3A_616 : i32
      %ne3A_618 = arith.constant 0 : i32
      %ne3A_619 = arith.cmpi ne, %rem3A_617, %ne3A_618 : i32
      %lt3A_620 = arith.constant 0 : i32
      %lt3A_621 = arith.cmpi slt, %rem3A_617, %lt3A_620 : i32
      %lt3A_622 = arith.constant 0 : i32
      %lt3A_623 = arith.cmpi slt, %select_n3A_616, %lt3A_622 : i32
      %ne3A_624 = arith.xori %lt3A_621, %lt3A_623 : i1
      %and3A_625 = arith.andi %ne3A_624, %ne3A_619 : i1
      %add3A_626 = arith.addi %rem3A_617, %select_n3A_616 : i32
      %select_n3A_627 = arith.select %and3A_625, %add3A_626, %rem3A_617 : i32
      %mul3A_628 = arith.constant 1024 : i32
      %mul3A_629 = arith.muli %select_n3A_627, %mul3A_628 : i32
      %dma_wait3A_630 = tpu.memref_slice %arg3[%mul3A_611, %mul3A_629] : memref<4096x4096xi32, #tpu.memory_space<hbm>> -> memref<8x1024xi32, #tpu.memory_space<hbm>>
      %dma_wait3A_631 = tpu.memref_slice %arg3[%mul3A_611, %mul3A_629] : memref<4096x4096xi32, #tpu.memory_space<hbm>> -> memref<8x1024xi32, #tpu.memory_space<hbm>>
      tpu.wait_dma2 semaphore(%arg19 : memref<!tpu.dma_semaphore, #tpu.memory_space<semaphore_mem>>) src(%dma_wait3A_631 : memref<8x1024xi32, #tpu.memory_space<hbm>>) dst(%arg7 : memref<8x1024xi32, #tpu.memory_space<vmem>>)
      %jit3A_632 = arith.constant 4 : i32
      %div3A_633 = arith.divsi %add3A_585, %jit3A_632 : i32
      %sign3A_634 = arith.constant 0 : i32
      %sign3A_635 = arith.cmpi sgt, %add3A_585, %sign3A_634 : i32
      %sign3A_636 = arith.extui %sign3A_635 : i1 to i32
      %sign3A_637 = arith.constant 0 : i32
      %sign3A_638 = arith.cmpi slt, %add3A_585, %sign3A_637 : i32
      %sign3A_639 = arith.extui %sign3A_638 : i1 to i32
      %sign3A_640 = arith.subi %sign3A_636, %sign3A_639 : i32
      %sign3A_641 = arith.constant 0 : i32
      %sign3A_642 = arith.cmpi sgt, %jit3A_632, %sign3A_641 : i32
      %sign3A_643 = arith.extui %sign3A_642 : i1 to i32
      %sign3A_644 = arith.constant 0 : i32
      %sign3A_645 = arith.cmpi slt, %jit3A_632, %sign3A_644 : i32
      %sign3A_646 = arith.extui %sign3A_645 : i1 to i32
      %sign3A_647 = arith.subi %sign3A_643, %sign3A_646 : i32
      %ne3A_648 = arith.cmpi ne, %sign3A_640, %sign3A_647 : i32
      %rem3A_649 = arith.remsi %add3A_585, %jit3A_632 : i32
      %ne3A_650 = arith.constant 0 : i32
      %ne3A_651 = arith.cmpi ne, %rem3A_649, %ne3A_650 : i32
      %and3A_652 = arith.andi %ne3A_648, %ne3A_651 : i1
      %sub3A_653 = arith.constant 1 : i32
      %sub3A_654 = arith.subi %div3A_633, %sub3A_653 : i32
      %select_n3A_655 = arith.select %and3A_652, %sub3A_654, %div3A_633 : i32
      %mul3A_656 = arith.constant 8 : i32
      %mul3A_657 = arith.muli %select_n3A_655, %mul3A_656 : i32
      %jit3A_658 = arith.constant 4 : i32
      %eq3A_659 = arith.constant 0 : i32
      %eq3A_660 = arith.cmpi eq, %jit3A_658, %eq3A_659 : i32
      %jit3A_661 = arith.constant 1 : i32
      %select_n3A_662 = arith.select %eq3A_660, %jit3A_661, %jit3A_658 : i32
      %rem3A_663 = arith.remsi %add3A_585, %select_n3A_662 : i32
      %ne3A_664 = arith.constant 0 : i32
      %ne3A_665 = arith.cmpi ne, %rem3A_663, %ne3A_664 : i32
      %lt3A_666 = arith.constant 0 : i32
      %lt3A_667 = arith.cmpi slt, %rem3A_663, %lt3A_666 : i32
      %lt3A_668 = arith.constant 0 : i32
      %lt3A_669 = arith.cmpi slt, %select_n3A_662, %lt3A_668 : i32
      %ne3A_670 = arith.xori %lt3A_667, %lt3A_669 : i1
      %and3A_671 = arith.andi %ne3A_670, %ne3A_665 : i1
      %add3A_672 = arith.addi %rem3A_663, %select_n3A_662 : i32
      %select_n3A_673 = arith.select %and3A_671, %add3A_672, %rem3A_663 : i32
      %mul3A_674 = arith.constant 1024 : i32
      %mul3A_675 = arith.muli %select_n3A_673, %mul3A_674 : i32
      %dma_wait3A_676 = tpu.memref_slice %arg4[%mul3A_657, %mul3A_675] : memref<4096x4096xf32, #tpu.memory_space<hbm>> -> memref<8x1024xf32, #tpu.memory_space<hbm>>
      %dma_wait3A_677 = tpu.memref_slice %arg4[%mul3A_657, %mul3A_675] : memref<4096x4096xf32, #tpu.memory_space<hbm>> -> memref<8x1024xf32, #tpu.memory_space<hbm>>
      tpu.wait_dma2 semaphore(%arg19 : memref<!tpu.dma_semaphore, #tpu.memory_space<semaphore_mem>>) src(%dma_wait3A_677 : memref<8x1024xf32, #tpu.memory_space<hbm>>) dst(%arg11 : memref<8x1024xf32, #tpu.memory_space<vmem>>)
      %gt3A = arith.constant 0 : i32
      %gt3A_678 = arith.cmpi sgt, %scan3A_580, %gt3A : i32
      %convert_element_type3A = arith.extui %gt3A_678 : i1 to i32
      %cond3A = arith.constant 0 : i32
      %cond3A_679 = arith.cmpi ne, %convert_element_type3A, %cond3A : i32
      scf.if %cond3A_679 {
        %sub3A_1201 = arith.constant 4 : i32
        %sub3A_1202 = arith.subi %add3A_585, %sub3A_1201 : i32
        %jit3A_1203 = arith.constant 4 : i32
        %div3A_1204 = arith.divsi %sub3A_1202, %jit3A_1203 : i32
        %sign3A_1205 = arith.constant 0 : i32
        %sign3A_1206 = arith.cmpi sgt, %sub3A_1202, %sign3A_1205 : i32
        %sign3A_1207 = arith.extui %sign3A_1206 : i1 to i32
        %sign3A_1208 = arith.constant 0 : i32
        %sign3A_1209 = arith.cmpi slt, %sub3A_1202, %sign3A_1208 : i32
        %sign3A_1210 = arith.extui %sign3A_1209 : i1 to i32
        %sign3A_1211 = arith.subi %sign3A_1207, %sign3A_1210 : i32
        %sign3A_1212 = arith.constant 0 : i32
        %sign3A_1213 = arith.cmpi sgt, %jit3A_1203, %sign3A_1212 : i32
        %sign3A_1214 = arith.extui %sign3A_1213 : i1 to i32
        %sign3A_1215 = arith.constant 0 : i32
        %sign3A_1216 = arith.cmpi slt, %jit3A_1203, %sign3A_1215 : i32
        %sign3A_1217 = arith.extui %sign3A_1216 : i1 to i32
        %sign3A_1218 = arith.subi %sign3A_1214, %sign3A_1217 : i32
        %ne3A_1219 = arith.cmpi ne, %sign3A_1211, %sign3A_1218 : i32
        %rem3A_1220 = arith.remsi %sub3A_1202, %jit3A_1203 : i32
        %ne3A_1221 = arith.constant 0 : i32
        %ne3A_1222 = arith.cmpi ne, %rem3A_1220, %ne3A_1221 : i32
        %and3A_1223 = arith.andi %ne3A_1219, %ne3A_1222 : i1
        %sub3A_1224 = arith.constant 1 : i32
        %sub3A_1225 = arith.subi %div3A_1204, %sub3A_1224 : i32
        %select_n3A_1226 = arith.select %and3A_1223, %sub3A_1225, %div3A_1204 : i32
        %mul3A_1227 = arith.constant 8 : i32
        %mul3A_1228 = arith.muli %select_n3A_1226, %mul3A_1227 : i32
        %jit3A_1229 = arith.constant 4 : i32
        %eq3A_1230 = arith.constant 0 : i32
        %eq3A_1231 = arith.cmpi eq, %jit3A_1229, %eq3A_1230 : i32
        %jit3A_1232 = arith.constant 1 : i32
        %select_n3A_1233 = arith.select %eq3A_1231, %jit3A_1232, %jit3A_1229 : i32
        %rem3A_1234 = arith.remsi %sub3A_1202, %select_n3A_1233 : i32
        %ne3A_1235 = arith.constant 0 : i32
        %ne3A_1236 = arith.cmpi ne, %rem3A_1234, %ne3A_1235 : i32
        %lt3A_1237 = arith.constant 0 : i32
        %lt3A_1238 = arith.cmpi slt, %rem3A_1234, %lt3A_1237 : i32
        %lt3A_1239 = arith.constant 0 : i32
        %lt3A_1240 = arith.cmpi slt, %select_n3A_1233, %lt3A_1239 : i32
        %ne3A_1241 = arith.xori %lt3A_1238, %lt3A_1240 : i1
        %and3A_1242 = arith.andi %ne3A_1241, %ne3A_1236 : i1
        %add3A_1243 = arith.addi %rem3A_1234, %select_n3A_1233 : i32
        %select_n3A_1244 = arith.select %and3A_1242, %add3A_1243, %rem3A_1234 : i32
        %mul3A_1245 = arith.constant 1024 : i32
        %mul3A_1246 = arith.muli %select_n3A_1244, %mul3A_1245 : i32
        %dma_wait3A_1247 = tpu.memref_slice %arg5[%mul3A_1228, %mul3A_1246] : memref<4096x4096xf32, #tpu.memory_space<hbm>> -> memref<8x1024xf32, #tpu.memory_space<hbm>>
        %dma_wait3A_1248 = tpu.memref_slice %arg5[%mul3A_1228, %mul3A_1246] : memref<4096x4096xf32, #tpu.memory_space<hbm>> -> memref<8x1024xf32, #tpu.memory_space<hbm>>
        tpu.wait_dma2 semaphore(%arg23 : memref<!tpu.dma_semaphore, #tpu.memory_space<semaphore_mem>>) src(%arg15 : memref<8x1024xf32, #tpu.memory_space<vmem>>) dst(%dma_wait3A_1248 : memref<8x1024xf32, #tpu.memory_space<hbm>>)
      } else {
      }
      %parallel_loop3A = arith.constant 0 : i32
      %parallel_loop3A_680 = arith.constant 512 : i32
      %parallel_loop3A_681 = arith.constant 1 : i32
      scf.for %parallel_loop3A_1201 = %parallel_loop3A to %parallel_loop3A_680 step %parallel_loop3A_681  : i32 {
        %parallel_loop3A_1202 = arith.constant 6 : i32
        %parallel_loop3A_1203 = arith.shrsi %parallel_loop3A_1201, %parallel_loop3A_1202 : i32
        %parallel_loop3A_1204 = arith.constant 63 : i32
        %parallel_loop3A_1205 = arith.andi %parallel_loop3A_1201, %parallel_loop3A_1204 : i32
        %parallel_loop3A_1206 = arith.constant 16 : i32
        %parallel_loop3A_1207 = arith.muli %parallel_loop3A_1205, %parallel_loop3A_1206 : i32
        %parallel_loop3A_1208 = arith.index_cast %parallel_loop3A_1203 : i32 to index
        %parallel_loop3A_1209 = arith.index_cast %parallel_loop3A_1207 : i32 to index
        %parallel_loop3A_1210 = tpu.vector_load %arg7[%parallel_loop3A_1208, %parallel_loop3A_1209] {strides = array<i32>} : memref<8x1024xi32, #tpu.memory_space<vmem>>, vector<16xi32>,
        %parallel_loop3A_1211 = arith.constant 0 : i32
        %parallel_loop3A_1212 = vector.broadcast %parallel_loop3A_1211 : i32 to vector<16xi32>
        %parallel_loop3A_1213 = arith.maxsi %parallel_loop3A_1210, %parallel_loop3A_1212 : vector<16xi32>
        %parallel_loop3A_1214 = tpu.vector_load_idx %arg6[%parallel_loop3A_1213] : memref<8192xf32, #tpu.memory_space<vmem>>[vector<16xi32>], vector<16xf32>,
        %parallel_loop3A_1215 = arith.index_cast %parallel_loop3A_1203 : i32 to index
        %parallel_loop3A_1216 = arith.index_cast %parallel_loop3A_1207 : i32 to index
        %parallel_loop3A_1217 = tpu.vector_load %arg11[%parallel_loop3A_1215, %parallel_loop3A_1216] {strides = array<i32>} : memref<8x1024xf32, #tpu.memory_space<vmem>>, vector<16xf32>,
        %parallel_loop3A_1218 = arith.mulf %parallel_loop3A_1214, %parallel_loop3A_1217 : vector<16xf32>
        %parallel_loop3A_1219 = arith.index_cast %parallel_loop3A_1203 : i32 to index
        %parallel_loop3A_1220 = arith.index_cast %parallel_loop3A_1207 : i32 to index
        %parallel_loop3A_1221 = tpu.vector_load %arg15[%parallel_loop3A_1219, %parallel_loop3A_1220] {strides = array<i32>} : memref<8x1024xf32, #tpu.memory_space<vmem>>, vector<16xf32>,
        tpu.vector_store %arg15[%parallel_loop3A_1219, %parallel_loop3A_1220], %parallel_loop3A_1218 {strides = array<i32>} : memref<8x1024xf32, #tpu.memory_space<vmem>>, vector<16xf32>,
      } {sc.loop_unroll_factor = 16 : i64, sc.parallel_access}
      %jit3A_682 = arith.constant 4 : i32
      %div3A_683 = arith.divsi %add3A_585, %jit3A_682 : i32
      %sign3A_684 = arith.constant 0 : i32
      %sign3A_685 = arith.cmpi sgt, %add3A_585, %sign3A_684 : i32
      %sign3A_686 = arith.extui %sign3A_685 : i1 to i32
      %sign3A_687 = arith.constant 0 : i32
      %sign3A_688 = arith.cmpi slt, %add3A_585, %sign3A_687 : i32
      %sign3A_689 = arith.extui %sign3A_688 : i1 to i32
      %sign3A_690 = arith.subi %sign3A_686, %sign3A_689 : i32
      %sign3A_691 = arith.constant 0 : i32
      %sign3A_692 = arith.cmpi sgt, %jit3A_682, %sign3A_691 : i32
      %sign3A_693 = arith.extui %sign3A_692 : i1 to i32
      %sign3A_694 = arith.constant 0 : i32
      %sign3A_695 = arith.cmpi slt, %jit3A_682, %sign3A_694 : i32
      %sign3A_696 = arith.extui %sign3A_695 : i1 to i32
      %sign3A_697 = arith.subi %sign3A_693, %sign3A_696 : i32
      %ne3A_698 = arith.cmpi ne, %sign3A_690, %sign3A_697 : i32
      %rem3A_699 = arith.remsi %add3A_585, %jit3A_682 : i32
      %ne3A_700 = arith.constant 0 : i32
      %ne3A_701 = arith.cmpi ne, %rem3A_699, %ne3A_700 : i32
      %and3A_702 = arith.andi %ne3A_698, %ne3A_701 : i1
      %sub3A_703 = arith.constant 1 : i32
      %sub3A_704 = arith.subi %div3A_683, %sub3A_703 : i32
      %select_n3A_705 = arith.select %and3A_702, %sub3A_704, %div3A_683 : i32
      %mul3A_706 = arith.constant 8 : i32
      %mul3A_707 = arith.muli %select_n3A_705, %mul3A_706 : i32
      %jit3A_708 = arith.constant 4 : i32
      %eq3A_709 = arith.constant 0 : i32
      %eq3A_710 = arith.cmpi eq, %jit3A_708, %eq3A_709 : i32
      %jit3A_711 = arith.constant 1 : i32
      %select_n3A_712 = arith.select %eq3A_710, %jit3A_711, %jit3A_708 : i32
      %rem3A_713 = arith.remsi %add3A_585, %select_n3A_712 : i32
      %ne3A_714 = arith.constant 0 : i32
      %ne3A_715 = arith.cmpi ne, %rem3A_713, %ne3A_714 : i32
      %lt3A_716 = arith.constant 0 : i32
      %lt3A_717 = arith.cmpi slt, %rem3A_713, %lt3A_716 : i32
      %lt3A_718 = arith.constant 0 : i32
      %lt3A_719 = arith.cmpi slt, %select_n3A_712, %lt3A_718 : i32
      %ne3A_720 = arith.xori %lt3A_717, %lt3A_719 : i1
      %and3A_721 = arith.andi %ne3A_720, %ne3A_715 : i1
      %add3A_722 = arith.addi %rem3A_713, %select_n3A_712 : i32
      %select_n3A_723 = arith.select %and3A_721, %add3A_722, %rem3A_713 : i32
      %mul3A_724 = arith.constant 1024 : i32
      %mul3A_725 = arith.muli %select_n3A_723, %mul3A_724 : i32
      %dma_start3A_726 = tpu.memref_slice %arg5[%mul3A_707, %mul3A_725] : memref<4096x4096xf32, #tpu.memory_space<hbm>> -> memref<8x1024xf32, #tpu.memory_space<hbm>>
      %dma_start3A_727 = tpu.memref_slice %arg5[%mul3A_707, %mul3A_725] : memref<4096x4096xf32, #tpu.memory_space<hbm>> -> memref<8x1024xf32, #tpu.memory_space<hbm>>
      tpu.enqueue_dma source(%arg15 : memref<8x1024xf32, #tpu.memory_space<vmem>>) target(%dma_start3A_727 : memref<8x1024xf32, #tpu.memory_space<hbm>>) target_semaphore(%arg23 : memref<!tpu.dma_semaphore, #tpu.memory_space<semaphore_mem>>)
      %lt3A_728 = arith.constant 15 : i32
      %lt3A_729 = arith.cmpi slt, %scan3A_580, %lt3A_728 : i32
      %convert_element_type3A_730 = arith.extui %lt3A_729 : i1 to i32
      %cond3A_731 = arith.constant 0 : i32
      %cond3A_732 = arith.cmpi ne, %convert_element_type3A_730, %cond3A_731 : i32
      scf.if %cond3A_732 {
        %add3A_1201 = arith.constant 4 : i32
        %add3A_1202 = arith.addi %add3A_585, %add3A_1201 : i32
        %jit3A_1203 = arith.constant 4 : i32
        %div3A_1204 = arith.divsi %add3A_1202, %jit3A_1203 : i32
        %sign3A_1205 = arith.constant 0 : i32
        %sign3A_1206 = arith.cmpi sgt, %add3A_1202, %sign3A_1205 : i32
        %sign3A_1207 = arith.extui %sign3A_1206 : i1 to i32
        %sign3A_1208 = arith.constant 0 : i32
        %sign3A_1209 = arith.cmpi slt, %add3A_1202, %sign3A_1208 : i32
        %sign3A_1210 = arith.extui %sign3A_1209 : i1 to i32
        %sign3A_1211 = arith.subi %sign3A_1207, %sign3A_1210 : i32
        %sign3A_1212 = arith.constant 0 : i32
        %sign3A_1213 = arith.cmpi sgt, %jit3A_1203, %sign3A_1212 : i32
        %sign3A_1214 = arith.extui %sign3A_1213 : i1 to i32
        %sign3A_1215 = arith.constant 0 : i32
        %sign3A_1216 = arith.cmpi slt, %jit3A_1203, %sign3A_1215 : i32
        %sign3A_1217 = arith.extui %sign3A_1216 : i1 to i32
        %sign3A_1218 = arith.subi %sign3A_1214, %sign3A_1217 : i32
        %ne3A_1219 = arith.cmpi ne, %sign3A_1211, %sign3A_1218 : i32
        %rem3A_1220 = arith.remsi %add3A_1202, %jit3A_1203 : i32
        %ne3A_1221 = arith.constant 0 : i32
        %ne3A_1222 = arith.cmpi ne, %rem3A_1220, %ne3A_1221 : i32
        %and3A_1223 = arith.andi %ne3A_1219, %ne3A_1222 : i1
        %sub3A_1224 = arith.constant 1 : i32
        %sub3A_1225 = arith.subi %div3A_1204, %sub3A_1224 : i32
        %select_n3A_1226 = arith.select %and3A_1223, %sub3A_1225, %div3A_1204 : i32
        %mul3A_1227 = arith.constant 8 : i32
        %mul3A_1228 = arith.muli %select_n3A_1226, %mul3A_1227 : i32
        %jit3A_1229 = arith.constant 4 : i32
        %eq3A_1230 = arith.constant 0 : i32
        %eq3A_1231 = arith.cmpi eq, %jit3A_1229, %eq3A_1230 : i32
        %jit3A_1232 = arith.constant 1 : i32
        %select_n3A_1233 = arith.select %eq3A_1231, %jit3A_1232, %jit3A_1229 : i32
        %rem3A_1234 = arith.remsi %add3A_1202, %select_n3A_1233 : i32
        %ne3A_1235 = arith.constant 0 : i32
        %ne3A_1236 = arith.cmpi ne, %rem3A_1234, %ne3A_1235 : i32
        %lt3A_1237 = arith.constant 0 : i32
        %lt3A_1238 = arith.cmpi slt, %rem3A_1234, %lt3A_1237 : i32
        %lt3A_1239 = arith.constant 0 : i32
        %lt3A_1240 = arith.cmpi slt, %select_n3A_1233, %lt3A_1239 : i32
        %ne3A_1241 = arith.xori %lt3A_1238, %lt3A_1240 : i1
        %and3A_1242 = arith.andi %ne3A_1241, %ne3A_1236 : i1
        %add3A_1243 = arith.addi %rem3A_1234, %select_n3A_1233 : i32
        %select_n3A_1244 = arith.select %and3A_1242, %add3A_1243, %rem3A_1234 : i32
        %mul3A_1245 = arith.constant 1024 : i32
        %mul3A_1246 = arith.muli %select_n3A_1244, %mul3A_1245 : i32
        %dma_start3A_1247 = tpu.memref_slice %arg3[%mul3A_1228, %mul3A_1246] : memref<4096x4096xi32, #tpu.memory_space<hbm>> -> memref<8x1024xi32, #tpu.memory_space<hbm>>
        %dma_start3A_1248 = tpu.memref_slice %arg3[%mul3A_1228, %mul3A_1246] : memref<4096x4096xi32, #tpu.memory_space<hbm>> -> memref<8x1024xi32, #tpu.memory_space<hbm>>
        tpu.enqueue_dma source(%dma_start3A_1248 : memref<8x1024xi32, #tpu.memory_space<hbm>>) target(%arg7 : memref<8x1024xi32, #tpu.memory_space<vmem>>) target_semaphore(%arg19 : memref<!tpu.dma_semaphore, #tpu.memory_space<semaphore_mem>>)
        %jit3A_1249 = arith.constant 4 : i32
        %div3A_1250 = arith.divsi %add3A_1202, %jit3A_1249 : i32
        %sign3A_1251 = arith.constant 0 : i32
        %sign3A_1252 = arith.cmpi sgt, %add3A_1202, %sign3A_1251 : i32
        %sign3A_1253 = arith.extui %sign3A_1252 : i1 to i32
        %sign3A_1254 = arith.constant 0 : i32
        %sign3A_1255 = arith.cmpi slt, %add3A_1202, %sign3A_1254 : i32
        %sign3A_1256 = arith.extui %sign3A_1255 : i1 to i32
        %sign3A_1257 = arith.subi %sign3A_1253, %sign3A_1256 : i32
        %sign3A_1258 = arith.constant 0 : i32
        %sign3A_1259 = arith.cmpi sgt, %jit3A_1249, %sign3A_1258 : i32
        %sign3A_1260 = arith.extui %sign3A_1259 : i1 to i32
        %sign3A_1261 = arith.constant 0 : i32
        %sign3A_1262 = arith.cmpi slt, %jit3A_1249, %sign3A_1261 : i32
        %sign3A_1263 = arith.extui %sign3A_1262 : i1 to i32
        %sign3A_1264 = arith.subi %sign3A_1260, %sign3A_1263 : i32
        %ne3A_1265 = arith.cmpi ne, %sign3A_1257, %sign3A_1264 : i32
        %rem3A_1266 = arith.remsi %add3A_1202, %jit3A_1249 : i32
        %ne3A_1267 = arith.constant 0 : i32
        %ne3A_1268 = arith.cmpi ne, %rem3A_1266, %ne3A_1267 : i32
        %and3A_1269 = arith.andi %ne3A_1265, %ne3A_1268 : i1
        %sub3A_1270 = arith.constant 1 : i32
        %sub3A_1271 = arith.subi %div3A_1250, %sub3A_1270 : i32
        %select_n3A_1272 = arith.select %and3A_1269, %sub3A_1271, %div3A_1250 : i32
        %mul3A_1273 = arith.constant 8 : i32
        %mul3A_1274 = arith.muli %select_n3A_1272, %mul3A_1273 : i32
        %jit3A_1275 = arith.constant 4 : i32
        %eq3A_1276 = arith.constant 0 : i32
        %eq3A_1277 = arith.cmpi eq, %jit3A_1275, %eq3A_1276 : i32
        %jit3A_1278 = arith.constant 1 : i32
        %select_n3A_1279 = arith.select %eq3A_1277, %jit3A_1278, %jit3A_1275 : i32
        %rem3A_1280 = arith.remsi %add3A_1202, %select_n3A_1279 : i32
        %ne3A_1281 = arith.constant 0 : i32
        %ne3A_1282 = arith.cmpi ne, %rem3A_1280, %ne3A_1281 : i32
        %lt3A_1283 = arith.constant 0 : i32
        %lt3A_1284 = arith.cmpi slt, %rem3A_1280, %lt3A_1283 : i32
        %lt3A_1285 = arith.constant 0 : i32
        %lt3A_1286 = arith.cmpi slt, %select_n3A_1279, %lt3A_1285 : i32
        %ne3A_1287 = arith.xori %lt3A_1284, %lt3A_1286 : i1
        %and3A_1288 = arith.andi %ne3A_1287, %ne3A_1282 : i1
        %add3A_1289 = arith.addi %rem3A_1280, %select_n3A_1279 : i32
        %select_n3A_1290 = arith.select %and3A_1288, %add3A_1289, %rem3A_1280 : i32
        %mul3A_1291 = arith.constant 1024 : i32
        %mul3A_1292 = arith.muli %select_n3A_1290, %mul3A_1291 : i32
        %dma_start3A_1293 = tpu.memref_slice %arg4[%mul3A_1274, %mul3A_1292] : memref<4096x4096xf32, #tpu.memory_space<hbm>> -> memref<8x1024xf32, #tpu.memory_space<hbm>>
        %dma_start3A_1294 = tpu.memref_slice %arg4[%mul3A_1274, %mul3A_1292] : memref<4096x4096xf32, #tpu.memory_space<hbm>> -> memref<8x1024xf32, #tpu.memory_space<hbm>>
        tpu.enqueue_dma source(%dma_start3A_1294 : memref<8x1024xf32, #tpu.memory_space<hbm>>) target(%arg11 : memref<8x1024xf32, #tpu.memory_space<vmem>>) target_semaphore(%arg19 : memref<!tpu.dma_semaphore, #tpu.memory_space<semaphore_mem>>)
      } else {
      }
      %mul3A_733 = arith.constant 4 : i32
      %mul3A_734 = arith.muli %mul3A_733, %scan3A_580 : i32
      %add3A_735 = arith.addi %mul3A_2, %mul3A_734 : i32
      %add3A_736 = arith.constant 1 : i32
      %add3A_737 = arith.addi %add3A_735, %add3A_736 : i32
      %jit3A_738 = arith.constant 4 : i32
      %div3A_739 = arith.divsi %add3A_737, %jit3A_738 : i32
      %sign3A_740 = arith.constant 0 : i32
      %sign3A_741 = arith.cmpi sgt, %add3A_737, %sign3A_740 : i32
      %sign3A_742 = arith.extui %sign3A_741 : i1 to i32
      %sign3A_743 = arith.constant 0 : i32
      %sign3A_744 = arith.cmpi slt, %add3A_737, %sign3A_743 : i32
      %sign3A_745 = arith.extui %sign3A_744 : i1 to i32
      %sign3A_746 = arith.subi %sign3A_742, %sign3A_745 : i32
      %sign3A_747 = arith.constant 0 : i32
      %sign3A_748 = arith.cmpi sgt, %jit3A_738, %sign3A_747 : i32
      %sign3A_749 = arith.extui %sign3A_748 : i1 to i32
      %sign3A_750 = arith.constant 0 : i32
      %sign3A_751 = arith.cmpi slt, %jit3A_738, %sign3A_750 : i32
      %sign3A_752 = arith.extui %sign3A_751 : i1 to i32
      %sign3A_753 = arith.subi %sign3A_749, %sign3A_752 : i32
      %ne3A_754 = arith.cmpi ne, %sign3A_746, %sign3A_753 : i32
      %rem3A_755 = arith.remsi %add3A_737, %jit3A_738 : i32
      %ne3A_756 = arith.constant 0 : i32
      %ne3A_757 = arith.cmpi ne, %rem3A_755, %ne3A_756 : i32
      %and3A_758 = arith.andi %ne3A_754, %ne3A_757 : i1
      %sub3A_759 = arith.constant 1 : i32
      %sub3A_760 = arith.subi %div3A_739, %sub3A_759 : i32
      %select_n3A_761 = arith.select %and3A_758, %sub3A_760, %div3A_739 : i32
      %mul3A_762 = arith.constant 8 : i32
      %mul3A_763 = arith.muli %select_n3A_761, %mul3A_762 : i32
      %jit3A_764 = arith.constant 4 : i32
      %eq3A_765 = arith.constant 0 : i32
      %eq3A_766 = arith.cmpi eq, %jit3A_764, %eq3A_765 : i32
      %jit3A_767 = arith.constant 1 : i32
      %select_n3A_768 = arith.select %eq3A_766, %jit3A_767, %jit3A_764 : i32
      %rem3A_769 = arith.remsi %add3A_737, %select_n3A_768 : i32
      %ne3A_770 = arith.constant 0 : i32
      %ne3A_771 = arith.cmpi ne, %rem3A_769, %ne3A_770 : i32
      %lt3A_772 = arith.constant 0 : i32
      %lt3A_773 = arith.cmpi slt, %rem3A_769, %lt3A_772 : i32
      %lt3A_774 = arith.constant 0 : i32
      %lt3A_775 = arith.cmpi slt, %select_n3A_768, %lt3A_774 : i32
      %ne3A_776 = arith.xori %lt3A_773, %lt3A_775 : i1
      %and3A_777 = arith.andi %ne3A_776, %ne3A_771 : i1
      %add3A_778 = arith.addi %rem3A_769, %select_n3A_768 : i32
      %select_n3A_779 = arith.select %and3A_777, %add3A_778, %rem3A_769 : i32
      %mul3A_780 = arith.constant 1024 : i32
      %mul3A_781 = arith.muli %select_n3A_779, %mul3A_780 : i32
      %dma_wait3A_782 = tpu.memref_slice %arg3[%mul3A_763, %mul3A_781] : memref<4096x4096xi32, #tpu.memory_space<hbm>> -> memref<8x1024xi32, #tpu.memory_space<hbm>>
      %dma_wait3A_783 = tpu.memref_slice %arg3[%mul3A_763, %mul3A_781] : memref<4096x4096xi32, #tpu.memory_space<hbm>> -> memref<8x1024xi32, #tpu.memory_space<hbm>>
      tpu.wait_dma2 semaphore(%arg20 : memref<!tpu.dma_semaphore, #tpu.memory_space<semaphore_mem>>) src(%dma_wait3A_783 : memref<8x1024xi32, #tpu.memory_space<hbm>>) dst(%arg8 : memref<8x1024xi32, #tpu.memory_space<vmem>>)
      %jit3A_784 = arith.constant 4 : i32
      %div3A_785 = arith.divsi %add3A_737, %jit3A_784 : i32
      %sign3A_786 = arith.constant 0 : i32
      %sign3A_787 = arith.cmpi sgt, %add3A_737, %sign3A_786 : i32
      %sign3A_788 = arith.extui %sign3A_787 : i1 to i32
      %sign3A_789 = arith.constant 0 : i32
      %sign3A_790 = arith.cmpi slt, %add3A_737, %sign3A_789 : i32
      %sign3A_791 = arith.extui %sign3A_790 : i1 to i32
      %sign3A_792 = arith.subi %sign3A_788, %sign3A_791 : i32
      %sign3A_793 = arith.constant 0 : i32
      %sign3A_794 = arith.cmpi sgt, %jit3A_784, %sign3A_793 : i32
      %sign3A_795 = arith.extui %sign3A_794 : i1 to i32
      %sign3A_796 = arith.constant 0 : i32
      %sign3A_797 = arith.cmpi slt, %jit3A_784, %sign3A_796 : i32
      %sign3A_798 = arith.extui %sign3A_797 : i1 to i32
      %sign3A_799 = arith.subi %sign3A_795, %sign3A_798 : i32
      %ne3A_800 = arith.cmpi ne, %sign3A_792, %sign3A_799 : i32
      %rem3A_801 = arith.remsi %add3A_737, %jit3A_784 : i32
      %ne3A_802 = arith.constant 0 : i32
      %ne3A_803 = arith.cmpi ne, %rem3A_801, %ne3A_802 : i32
      %and3A_804 = arith.andi %ne3A_800, %ne3A_803 : i1
      %sub3A_805 = arith.constant 1 : i32
      %sub3A_806 = arith.subi %div3A_785, %sub3A_805 : i32
      %select_n3A_807 = arith.select %and3A_804, %sub3A_806, %div3A_785 : i32
      %mul3A_808 = arith.constant 8 : i32
      %mul3A_809 = arith.muli %select_n3A_807, %mul3A_808 : i32
      %jit3A_810 = arith.constant 4 : i32
      %eq3A_811 = arith.constant 0 : i32
      %eq3A_812 = arith.cmpi eq, %jit3A_810, %eq3A_811 : i32
      %jit3A_813 = arith.constant 1 : i32
      %select_n3A_814 = arith.select %eq3A_812, %jit3A_813, %jit3A_810 : i32
      %rem3A_815 = arith.remsi %add3A_737, %select_n3A_814 : i32
      %ne3A_816 = arith.constant 0 : i32
      %ne3A_817 = arith.cmpi ne, %rem3A_815, %ne3A_816 : i32
      %lt3A_818 = arith.constant 0 : i32
      %lt3A_819 = arith.cmpi slt, %rem3A_815, %lt3A_818 : i32
      %lt3A_820 = arith.constant 0 : i32
      %lt3A_821 = arith.cmpi slt, %select_n3A_814, %lt3A_820 : i32
      %ne3A_822 = arith.xori %lt3A_819, %lt3A_821 : i1
      %and3A_823 = arith.andi %ne3A_822, %ne3A_817 : i1
      %add3A_824 = arith.addi %rem3A_815, %select_n3A_814 : i32
      %select_n3A_825 = arith.select %and3A_823, %add3A_824, %rem3A_815 : i32
      %mul3A_826 = arith.constant 1024 : i32
      %mul3A_827 = arith.muli %select_n3A_825, %mul3A_826 : i32
      %dma_wait3A_828 = tpu.memref_slice %arg4[%mul3A_809, %mul3A_827] : memref<4096x4096xf32, #tpu.memory_space<hbm>> -> memref<8x1024xf32, #tpu.memory_space<hbm>>
      %dma_wait3A_829 = tpu.memref_slice %arg4[%mul3A_809, %mul3A_827] : memref<4096x4096xf32, #tpu.memory_space<hbm>> -> memref<8x1024xf32, #tpu.memory_space<hbm>>
      tpu.wait_dma2 semaphore(%arg20 : memref<!tpu.dma_semaphore, #tpu.memory_space<semaphore_mem>>) src(%dma_wait3A_829 : memref<8x1024xf32, #tpu.memory_space<hbm>>) dst(%arg12 : memref<8x1024xf32, #tpu.memory_space<vmem>>)
      %gt3A_830 = arith.constant 0 : i32
      %gt3A_831 = arith.cmpi sgt, %scan3A_580, %gt3A_830 : i32
      %convert_element_type3A_832 = arith.extui %gt3A_831 : i1 to i32
      %cond3A_833 = arith.constant 0 : i32
      %cond3A_834 = arith.cmpi ne, %convert_element_type3A_832, %cond3A_833 : i32
      scf.if %cond3A_834 {
        %sub3A_1201 = arith.constant 4 : i32
        %sub3A_1202 = arith.subi %add3A_737, %sub3A_1201 : i32
        %jit3A_1203 = arith.constant 4 : i32
        %div3A_1204 = arith.divsi %sub3A_1202, %jit3A_1203 : i32
        %sign3A_1205 = arith.constant 0 : i32
        %sign3A_1206 = arith.cmpi sgt, %sub3A_1202, %sign3A_1205 : i32
        %sign3A_1207 = arith.extui %sign3A_1206 : i1 to i32
        %sign3A_1208 = arith.constant 0 : i32
        %sign3A_1209 = arith.cmpi slt, %sub3A_1202, %sign3A_1208 : i32
        %sign3A_1210 = arith.extui %sign3A_1209 : i1 to i32
        %sign3A_1211 = arith.subi %sign3A_1207, %sign3A_1210 : i32
        %sign3A_1212 = arith.constant 0 : i32
        %sign3A_1213 = arith.cmpi sgt, %jit3A_1203, %sign3A_1212 : i32
        %sign3A_1214 = arith.extui %sign3A_1213 : i1 to i32
        %sign3A_1215 = arith.constant 0 : i32
        %sign3A_1216 = arith.cmpi slt, %jit3A_1203, %sign3A_1215 : i32
        %sign3A_1217 = arith.extui %sign3A_1216 : i1 to i32
        %sign3A_1218 = arith.subi %sign3A_1214, %sign3A_1217 : i32
        %ne3A_1219 = arith.cmpi ne, %sign3A_1211, %sign3A_1218 : i32
        %rem3A_1220 = arith.remsi %sub3A_1202, %jit3A_1203 : i32
        %ne3A_1221 = arith.constant 0 : i32
        %ne3A_1222 = arith.cmpi ne, %rem3A_1220, %ne3A_1221 : i32
        %and3A_1223 = arith.andi %ne3A_1219, %ne3A_1222 : i1
        %sub3A_1224 = arith.constant 1 : i32
        %sub3A_1225 = arith.subi %div3A_1204, %sub3A_1224 : i32
        %select_n3A_1226 = arith.select %and3A_1223, %sub3A_1225, %div3A_1204 : i32
        %mul3A_1227 = arith.constant 8 : i32
        %mul3A_1228 = arith.muli %select_n3A_1226, %mul3A_1227 : i32
        %jit3A_1229 = arith.constant 4 : i32
        %eq3A_1230 = arith.constant 0 : i32
        %eq3A_1231 = arith.cmpi eq, %jit3A_1229, %eq3A_1230 : i32
        %jit3A_1232 = arith.constant 1 : i32
        %select_n3A_1233 = arith.select %eq3A_1231, %jit3A_1232, %jit3A_1229 : i32
        %rem3A_1234 = arith.remsi %sub3A_1202, %select_n3A_1233 : i32
        %ne3A_1235 = arith.constant 0 : i32
        %ne3A_1236 = arith.cmpi ne, %rem3A_1234, %ne3A_1235 : i32
        %lt3A_1237 = arith.constant 0 : i32
        %lt3A_1238 = arith.cmpi slt, %rem3A_1234, %lt3A_1237 : i32
        %lt3A_1239 = arith.constant 0 : i32
        %lt3A_1240 = arith.cmpi slt, %select_n3A_1233, %lt3A_1239 : i32
        %ne3A_1241 = arith.xori %lt3A_1238, %lt3A_1240 : i1
        %and3A_1242 = arith.andi %ne3A_1241, %ne3A_1236 : i1
        %add3A_1243 = arith.addi %rem3A_1234, %select_n3A_1233 : i32
        %select_n3A_1244 = arith.select %and3A_1242, %add3A_1243, %rem3A_1234 : i32
        %mul3A_1245 = arith.constant 1024 : i32
        %mul3A_1246 = arith.muli %select_n3A_1244, %mul3A_1245 : i32
        %dma_wait3A_1247 = tpu.memref_slice %arg5[%mul3A_1228, %mul3A_1246] : memref<4096x4096xf32, #tpu.memory_space<hbm>> -> memref<8x1024xf32, #tpu.memory_space<hbm>>
        %dma_wait3A_1248 = tpu.memref_slice %arg5[%mul3A_1228, %mul3A_1246] : memref<4096x4096xf32, #tpu.memory_space<hbm>> -> memref<8x1024xf32, #tpu.memory_space<hbm>>
        tpu.wait_dma2 semaphore(%arg24 : memref<!tpu.dma_semaphore, #tpu.memory_space<semaphore_mem>>) src(%arg16 : memref<8x1024xf32, #tpu.memory_space<vmem>>) dst(%dma_wait3A_1248 : memref<8x1024xf32, #tpu.memory_space<hbm>>)
      } else {
      }
      %parallel_loop3A_835 = arith.constant 0 : i32
      %parallel_loop3A_836 = arith.constant 512 : i32
      %parallel_loop3A_837 = arith.constant 1 : i32
      scf.for %parallel_loop3A_1201 = %parallel_loop3A_835 to %parallel_loop3A_836 step %parallel_loop3A_837  : i32 {
        %parallel_loop3A_1202 = arith.constant 6 : i32
        %parallel_loop3A_1203 = arith.shrsi %parallel_loop3A_1201, %parallel_loop3A_1202 : i32
        %parallel_loop3A_1204 = arith.constant 63 : i32
        %parallel_loop3A_1205 = arith.andi %parallel_loop3A_1201, %parallel_loop3A_1204 : i32
        %parallel_loop3A_1206 = arith.constant 16 : i32
        %parallel_loop3A_1207 = arith.muli %parallel_loop3A_1205, %parallel_loop3A_1206 : i32
        %parallel_loop3A_1208 = arith.index_cast %parallel_loop3A_1203 : i32 to index
        %parallel_loop3A_1209 = arith.index_cast %parallel_loop3A_1207 : i32 to index
        %parallel_loop3A_1210 = tpu.vector_load %arg8[%parallel_loop3A_1208, %parallel_loop3A_1209] {strides = array<i32>} : memref<8x1024xi32, #tpu.memory_space<vmem>>, vector<16xi32>,
        %parallel_loop3A_1211 = arith.constant 0 : i32
        %parallel_loop3A_1212 = vector.broadcast %parallel_loop3A_1211 : i32 to vector<16xi32>
        %parallel_loop3A_1213 = arith.maxsi %parallel_loop3A_1210, %parallel_loop3A_1212 : vector<16xi32>
        %parallel_loop3A_1214 = tpu.vector_load_idx %arg6[%parallel_loop3A_1213] : memref<8192xf32, #tpu.memory_space<vmem>>[vector<16xi32>], vector<16xf32>,
        %parallel_loop3A_1215 = arith.index_cast %parallel_loop3A_1203 : i32 to index
        %parallel_loop3A_1216 = arith.index_cast %parallel_loop3A_1207 : i32 to index
        %parallel_loop3A_1217 = tpu.vector_load %arg12[%parallel_loop3A_1215, %parallel_loop3A_1216] {strides = array<i32>} : memref<8x1024xf32, #tpu.memory_space<vmem>>, vector<16xf32>,
        %parallel_loop3A_1218 = arith.mulf %parallel_loop3A_1214, %parallel_loop3A_1217 : vector<16xf32>
        %parallel_loop3A_1219 = arith.index_cast %parallel_loop3A_1203 : i32 to index
        %parallel_loop3A_1220 = arith.index_cast %parallel_loop3A_1207 : i32 to index
        %parallel_loop3A_1221 = tpu.vector_load %arg16[%parallel_loop3A_1219, %parallel_loop3A_1220] {strides = array<i32>} : memref<8x1024xf32, #tpu.memory_space<vmem>>, vector<16xf32>,
        tpu.vector_store %arg16[%parallel_loop3A_1219, %parallel_loop3A_1220], %parallel_loop3A_1218 {strides = array<i32>} : memref<8x1024xf32, #tpu.memory_space<vmem>>, vector<16xf32>,
      } {sc.loop_unroll_factor = 16 : i64, sc.parallel_access}
      %jit3A_838 = arith.constant 4 : i32
      %div3A_839 = arith.divsi %add3A_737, %jit3A_838 : i32
      %sign3A_840 = arith.constant 0 : i32
      %sign3A_841 = arith.cmpi sgt, %add3A_737, %sign3A_840 : i32
      %sign3A_842 = arith.extui %sign3A_841 : i1 to i32
      %sign3A_843 = arith.constant 0 : i32
      %sign3A_844 = arith.cmpi slt, %add3A_737, %sign3A_843 : i32
      %sign3A_845 = arith.extui %sign3A_844 : i1 to i32
      %sign3A_846 = arith.subi %sign3A_842, %sign3A_845 : i32
      %sign3A_847 = arith.constant 0 : i32
      %sign3A_848 = arith.cmpi sgt, %jit3A_838, %sign3A_847 : i32
      %sign3A_849 = arith.extui %sign3A_848 : i1 to i32
      %sign3A_850 = arith.constant 0 : i32
      %sign3A_851 = arith.cmpi slt, %jit3A_838, %sign3A_850 : i32
      %sign3A_852 = arith.extui %sign3A_851 : i1 to i32
      %sign3A_853 = arith.subi %sign3A_849, %sign3A_852 : i32
      %ne3A_854 = arith.cmpi ne, %sign3A_846, %sign3A_853 : i32
      %rem3A_855 = arith.remsi %add3A_737, %jit3A_838 : i32
      %ne3A_856 = arith.constant 0 : i32
      %ne3A_857 = arith.cmpi ne, %rem3A_855, %ne3A_856 : i32
      %and3A_858 = arith.andi %ne3A_854, %ne3A_857 : i1
      %sub3A_859 = arith.constant 1 : i32
      %sub3A_860 = arith.subi %div3A_839, %sub3A_859 : i32
      %select_n3A_861 = arith.select %and3A_858, %sub3A_860, %div3A_839 : i32
      %mul3A_862 = arith.constant 8 : i32
      %mul3A_863 = arith.muli %select_n3A_861, %mul3A_862 : i32
      %jit3A_864 = arith.constant 4 : i32
      %eq3A_865 = arith.constant 0 : i32
      %eq3A_866 = arith.cmpi eq, %jit3A_864, %eq3A_865 : i32
      %jit3A_867 = arith.constant 1 : i32
      %select_n3A_868 = arith.select %eq3A_866, %jit3A_867, %jit3A_864 : i32
      %rem3A_869 = arith.remsi %add3A_737, %select_n3A_868 : i32
      %ne3A_870 = arith.constant 0 : i32
      %ne3A_871 = arith.cmpi ne, %rem3A_869, %ne3A_870 : i32
      %lt3A_872 = arith.constant 0 : i32
      %lt3A_873 = arith.cmpi slt, %rem3A_869, %lt3A_872 : i32
      %lt3A_874 = arith.constant 0 : i32
      %lt3A_875 = arith.cmpi slt, %select_n3A_868, %lt3A_874 : i32
      %ne3A_876 = arith.xori %lt3A_873, %lt3A_875 : i1
      %and3A_877 = arith.andi %ne3A_876, %ne3A_871 : i1
      %add3A_878 = arith.addi %rem3A_869, %select_n3A_868 : i32
      %select_n3A_879 = arith.select %and3A_877, %add3A_878, %rem3A_869 : i32
      %mul3A_880 = arith.constant 1024 : i32
      %mul3A_881 = arith.muli %select_n3A_879, %mul3A_880 : i32
      %dma_start3A_882 = tpu.memref_slice %arg5[%mul3A_863, %mul3A_881] : memref<4096x4096xf32, #tpu.memory_space<hbm>> -> memref<8x1024xf32, #tpu.memory_space<hbm>>
      %dma_start3A_883 = tpu.memref_slice %arg5[%mul3A_863, %mul3A_881] : memref<4096x4096xf32, #tpu.memory_space<hbm>> -> memref<8x1024xf32, #tpu.memory_space<hbm>>
      tpu.enqueue_dma source(%arg16 : memref<8x1024xf32, #tpu.memory_space<vmem>>) target(%dma_start3A_883 : memref<8x1024xf32, #tpu.memory_space<hbm>>) target_semaphore(%arg24 : memref<!tpu.dma_semaphore, #tpu.memory_space<semaphore_mem>>)
      %lt3A_884 = arith.constant 15 : i32
      %lt3A_885 = arith.cmpi slt, %scan3A_580, %lt3A_884 : i32
      %convert_element_type3A_886 = arith.extui %lt3A_885 : i1 to i32
      %cond3A_887 = arith.constant 0 : i32
      %cond3A_888 = arith.cmpi ne, %convert_element_type3A_886, %cond3A_887 : i32
      scf.if %cond3A_888 {
        %add3A_1201 = arith.constant 4 : i32
        %add3A_1202 = arith.addi %add3A_737, %add3A_1201 : i32
        %jit3A_1203 = arith.constant 4 : i32
        %div3A_1204 = arith.divsi %add3A_1202, %jit3A_1203 : i32
        %sign3A_1205 = arith.constant 0 : i32
        %sign3A_1206 = arith.cmpi sgt, %add3A_1202, %sign3A_1205 : i32
        %sign3A_1207 = arith.extui %sign3A_1206 : i1 to i32
        %sign3A_1208 = arith.constant 0 : i32
        %sign3A_1209 = arith.cmpi slt, %add3A_1202, %sign3A_1208 : i32
        %sign3A_1210 = arith.extui %sign3A_1209 : i1 to i32
        %sign3A_1211 = arith.subi %sign3A_1207, %sign3A_1210 : i32
        %sign3A_1212 = arith.constant 0 : i32
        %sign3A_1213 = arith.cmpi sgt, %jit3A_1203, %sign3A_1212 : i32
        %sign3A_1214 = arith.extui %sign3A_1213 : i1 to i32
        %sign3A_1215 = arith.constant 0 : i32
        %sign3A_1216 = arith.cmpi slt, %jit3A_1203, %sign3A_1215 : i32
        %sign3A_1217 = arith.extui %sign3A_1216 : i1 to i32
        %sign3A_1218 = arith.subi %sign3A_1214, %sign3A_1217 : i32
        %ne3A_1219 = arith.cmpi ne, %sign3A_1211, %sign3A_1218 : i32
        %rem3A_1220 = arith.remsi %add3A_1202, %jit3A_1203 : i32
        %ne3A_1221 = arith.constant 0 : i32
        %ne3A_1222 = arith.cmpi ne, %rem3A_1220, %ne3A_1221 : i32
        %and3A_1223 = arith.andi %ne3A_1219, %ne3A_1222 : i1
        %sub3A_1224 = arith.constant 1 : i32
        %sub3A_1225 = arith.subi %div3A_1204, %sub3A_1224 : i32
        %select_n3A_1226 = arith.select %and3A_1223, %sub3A_1225, %div3A_1204 : i32
        %mul3A_1227 = arith.constant 8 : i32
        %mul3A_1228 = arith.muli %select_n3A_1226, %mul3A_1227 : i32
        %jit3A_1229 = arith.constant 4 : i32
        %eq3A_1230 = arith.constant 0 : i32
        %eq3A_1231 = arith.cmpi eq, %jit3A_1229, %eq3A_1230 : i32
        %jit3A_1232 = arith.constant 1 : i32
        %select_n3A_1233 = arith.select %eq3A_1231, %jit3A_1232, %jit3A_1229 : i32
        %rem3A_1234 = arith.remsi %add3A_1202, %select_n3A_1233 : i32
        %ne3A_1235 = arith.constant 0 : i32
        %ne3A_1236 = arith.cmpi ne, %rem3A_1234, %ne3A_1235 : i32
        %lt3A_1237 = arith.constant 0 : i32
        %lt3A_1238 = arith.cmpi slt, %rem3A_1234, %lt3A_1237 : i32
        %lt3A_1239 = arith.constant 0 : i32
        %lt3A_1240 = arith.cmpi slt, %select_n3A_1233, %lt3A_1239 : i32
        %ne3A_1241 = arith.xori %lt3A_1238, %lt3A_1240 : i1
        %and3A_1242 = arith.andi %ne3A_1241, %ne3A_1236 : i1
        %add3A_1243 = arith.addi %rem3A_1234, %select_n3A_1233 : i32
        %select_n3A_1244 = arith.select %and3A_1242, %add3A_1243, %rem3A_1234 : i32
        %mul3A_1245 = arith.constant 1024 : i32
        %mul3A_1246 = arith.muli %select_n3A_1244, %mul3A_1245 : i32
        %dma_start3A_1247 = tpu.memref_slice %arg3[%mul3A_1228, %mul3A_1246] : memref<4096x4096xi32, #tpu.memory_space<hbm>> -> memref<8x1024xi32, #tpu.memory_space<hbm>>
        %dma_start3A_1248 = tpu.memref_slice %arg3[%mul3A_1228, %mul3A_1246] : memref<4096x4096xi32, #tpu.memory_space<hbm>> -> memref<8x1024xi32, #tpu.memory_space<hbm>>
        tpu.enqueue_dma source(%dma_start3A_1248 : memref<8x1024xi32, #tpu.memory_space<hbm>>) target(%arg8 : memref<8x1024xi32, #tpu.memory_space<vmem>>) target_semaphore(%arg20 : memref<!tpu.dma_semaphore, #tpu.memory_space<semaphore_mem>>)
        %jit3A_1249 = arith.constant 4 : i32
        %div3A_1250 = arith.divsi %add3A_1202, %jit3A_1249 : i32
        %sign3A_1251 = arith.constant 0 : i32
        %sign3A_1252 = arith.cmpi sgt, %add3A_1202, %sign3A_1251 : i32
        %sign3A_1253 = arith.extui %sign3A_1252 : i1 to i32
        %sign3A_1254 = arith.constant 0 : i32
        %sign3A_1255 = arith.cmpi slt, %add3A_1202, %sign3A_1254 : i32
        %sign3A_1256 = arith.extui %sign3A_1255 : i1 to i32
        %sign3A_1257 = arith.subi %sign3A_1253, %sign3A_1256 : i32
        %sign3A_1258 = arith.constant 0 : i32
        %sign3A_1259 = arith.cmpi sgt, %jit3A_1249, %sign3A_1258 : i32
        %sign3A_1260 = arith.extui %sign3A_1259 : i1 to i32
        %sign3A_1261 = arith.constant 0 : i32
        %sign3A_1262 = arith.cmpi slt, %jit3A_1249, %sign3A_1261 : i32
        %sign3A_1263 = arith.extui %sign3A_1262 : i1 to i32
        %sign3A_1264 = arith.subi %sign3A_1260, %sign3A_1263 : i32
        %ne3A_1265 = arith.cmpi ne, %sign3A_1257, %sign3A_1264 : i32
        %rem3A_1266 = arith.remsi %add3A_1202, %jit3A_1249 : i32
        %ne3A_1267 = arith.constant 0 : i32
        %ne3A_1268 = arith.cmpi ne, %rem3A_1266, %ne3A_1267 : i32
        %and3A_1269 = arith.andi %ne3A_1265, %ne3A_1268 : i1
        %sub3A_1270 = arith.constant 1 : i32
        %sub3A_1271 = arith.subi %div3A_1250, %sub3A_1270 : i32
        %select_n3A_1272 = arith.select %and3A_1269, %sub3A_1271, %div3A_1250 : i32
        %mul3A_1273 = arith.constant 8 : i32
        %mul3A_1274 = arith.muli %select_n3A_1272, %mul3A_1273 : i32
        %jit3A_1275 = arith.constant 4 : i32
        %eq3A_1276 = arith.constant 0 : i32
        %eq3A_1277 = arith.cmpi eq, %jit3A_1275, %eq3A_1276 : i32
        %jit3A_1278 = arith.constant 1 : i32
        %select_n3A_1279 = arith.select %eq3A_1277, %jit3A_1278, %jit3A_1275 : i32
        %rem3A_1280 = arith.remsi %add3A_1202, %select_n3A_1279 : i32
        %ne3A_1281 = arith.constant 0 : i32
        %ne3A_1282 = arith.cmpi ne, %rem3A_1280, %ne3A_1281 : i32
        %lt3A_1283 = arith.constant 0 : i32
        %lt3A_1284 = arith.cmpi slt, %rem3A_1280, %lt3A_1283 : i32
        %lt3A_1285 = arith.constant 0 : i32
        %lt3A_1286 = arith.cmpi slt, %select_n3A_1279, %lt3A_1285 : i32
        %ne3A_1287 = arith.xori %lt3A_1284, %lt3A_1286 : i1
        %and3A_1288 = arith.andi %ne3A_1287, %ne3A_1282 : i1
        %add3A_1289 = arith.addi %rem3A_1280, %select_n3A_1279 : i32
        %select_n3A_1290 = arith.select %and3A_1288, %add3A_1289, %rem3A_1280 : i32
        %mul3A_1291 = arith.constant 1024 : i32
        %mul3A_1292 = arith.muli %select_n3A_1290, %mul3A_1291 : i32
        %dma_start3A_1293 = tpu.memref_slice %arg4[%mul3A_1274, %mul3A_1292] : memref<4096x4096xf32, #tpu.memory_space<hbm>> -> memref<8x1024xf32, #tpu.memory_space<hbm>>
        %dma_start3A_1294 = tpu.memref_slice %arg4[%mul3A_1274, %mul3A_1292] : memref<4096x4096xf32, #tpu.memory_space<hbm>> -> memref<8x1024xf32, #tpu.memory_space<hbm>>
        tpu.enqueue_dma source(%dma_start3A_1294 : memref<8x1024xf32, #tpu.memory_space<hbm>>) target(%arg12 : memref<8x1024xf32, #tpu.memory_space<vmem>>) target_semaphore(%arg20 : memref<!tpu.dma_semaphore, #tpu.memory_space<semaphore_mem>>)
      } else {
      }
      %mul3A_889 = arith.constant 4 : i32
      %mul3A_890 = arith.muli %mul3A_889, %scan3A_580 : i32
      %add3A_891 = arith.addi %mul3A_2, %mul3A_890 : i32
      %add3A_892 = arith.constant 2 : i32
      %add3A_893 = arith.addi %add3A_891, %add3A_892 : i32
      %jit3A_894 = arith.constant 4 : i32
      %div3A_895 = arith.divsi %add3A_893, %jit3A_894 : i32
      %sign3A_896 = arith.constant 0 : i32
      %sign3A_897 = arith.cmpi sgt, %add3A_893, %sign3A_896 : i32
      %sign3A_898 = arith.extui %sign3A_897 : i1 to i32
      %sign3A_899 = arith.constant 0 : i32
      %sign3A_900 = arith.cmpi slt, %add3A_893, %sign3A_899 : i32
      %sign3A_901 = arith.extui %sign3A_900 : i1 to i32
      %sign3A_902 = arith.subi %sign3A_898, %sign3A_901 : i32
      %sign3A_903 = arith.constant 0 : i32
      %sign3A_904 = arith.cmpi sgt, %jit3A_894, %sign3A_903 : i32
      %sign3A_905 = arith.extui %sign3A_904 : i1 to i32
      %sign3A_906 = arith.constant 0 : i32
      %sign3A_907 = arith.cmpi slt, %jit3A_894, %sign3A_906 : i32
      %sign3A_908 = arith.extui %sign3A_907 : i1 to i32
      %sign3A_909 = arith.subi %sign3A_905, %sign3A_908 : i32
      %ne3A_910 = arith.cmpi ne, %sign3A_902, %sign3A_909 : i32
      %rem3A_911 = arith.remsi %add3A_893, %jit3A_894 : i32
      %ne3A_912 = arith.constant 0 : i32
      %ne3A_913 = arith.cmpi ne, %rem3A_911, %ne3A_912 : i32
      %and3A_914 = arith.andi %ne3A_910, %ne3A_913 : i1
      %sub3A_915 = arith.constant 1 : i32
      %sub3A_916 = arith.subi %div3A_895, %sub3A_915 : i32
      %select_n3A_917 = arith.select %and3A_914, %sub3A_916, %div3A_895 : i32
      %mul3A_918 = arith.constant 8 : i32
      %mul3A_919 = arith.muli %select_n3A_917, %mul3A_918 : i32
      %jit3A_920 = arith.constant 4 : i32
      %eq3A_921 = arith.constant 0 : i32
      %eq3A_922 = arith.cmpi eq, %jit3A_920, %eq3A_921 : i32
      %jit3A_923 = arith.constant 1 : i32
      %select_n3A_924 = arith.select %eq3A_922, %jit3A_923, %jit3A_920 : i32
      %rem3A_925 = arith.remsi %add3A_893, %select_n3A_924 : i32
      %ne3A_926 = arith.constant 0 : i32
      %ne3A_927 = arith.cmpi ne, %rem3A_925, %ne3A_926 : i32
      %lt3A_928 = arith.constant 0 : i32
      %lt3A_929 = arith.cmpi slt, %rem3A_925, %lt3A_928 : i32
      %lt3A_930 = arith.constant 0 : i32
      %lt3A_931 = arith.cmpi slt, %select_n3A_924, %lt3A_930 : i32
      %ne3A_932 = arith.xori %lt3A_929, %lt3A_931 : i1
      %and3A_933 = arith.andi %ne3A_932, %ne3A_927 : i1
      %add3A_934 = arith.addi %rem3A_925, %select_n3A_924 : i32
      %select_n3A_935 = arith.select %and3A_933, %add3A_934, %rem3A_925 : i32
      %mul3A_936 = arith.constant 1024 : i32
      %mul3A_937 = arith.muli %select_n3A_935, %mul3A_936 : i32
      %dma_wait3A_938 = tpu.memref_slice %arg3[%mul3A_919, %mul3A_937] : memref<4096x4096xi32, #tpu.memory_space<hbm>> -> memref<8x1024xi32, #tpu.memory_space<hbm>>
      %dma_wait3A_939 = tpu.memref_slice %arg3[%mul3A_919, %mul3A_937] : memref<4096x4096xi32, #tpu.memory_space<hbm>> -> memref<8x1024xi32, #tpu.memory_space<hbm>>
      tpu.wait_dma2 semaphore(%arg21 : memref<!tpu.dma_semaphore, #tpu.memory_space<semaphore_mem>>) src(%dma_wait3A_939 : memref<8x1024xi32, #tpu.memory_space<hbm>>) dst(%arg9 : memref<8x1024xi32, #tpu.memory_space<vmem>>)
      %jit3A_940 = arith.constant 4 : i32
      %div3A_941 = arith.divsi %add3A_893, %jit3A_940 : i32
      %sign3A_942 = arith.constant 0 : i32
      %sign3A_943 = arith.cmpi sgt, %add3A_893, %sign3A_942 : i32
      %sign3A_944 = arith.extui %sign3A_943 : i1 to i32
      %sign3A_945 = arith.constant 0 : i32
      %sign3A_946 = arith.cmpi slt, %add3A_893, %sign3A_945 : i32
      %sign3A_947 = arith.extui %sign3A_946 : i1 to i32
      %sign3A_948 = arith.subi %sign3A_944, %sign3A_947 : i32
      %sign3A_949 = arith.constant 0 : i32
      %sign3A_950 = arith.cmpi sgt, %jit3A_940, %sign3A_949 : i32
      %sign3A_951 = arith.extui %sign3A_950 : i1 to i32
      %sign3A_952 = arith.constant 0 : i32
      %sign3A_953 = arith.cmpi slt, %jit3A_940, %sign3A_952 : i32
      %sign3A_954 = arith.extui %sign3A_953 : i1 to i32
      %sign3A_955 = arith.subi %sign3A_951, %sign3A_954 : i32
      %ne3A_956 = arith.cmpi ne, %sign3A_948, %sign3A_955 : i32
      %rem3A_957 = arith.remsi %add3A_893, %jit3A_940 : i32
      %ne3A_958 = arith.constant 0 : i32
      %ne3A_959 = arith.cmpi ne, %rem3A_957, %ne3A_958 : i32
      %and3A_960 = arith.andi %ne3A_956, %ne3A_959 : i1
      %sub3A_961 = arith.constant 1 : i32
      %sub3A_962 = arith.subi %div3A_941, %sub3A_961 : i32
      %select_n3A_963 = arith.select %and3A_960, %sub3A_962, %div3A_941 : i32
      %mul3A_964 = arith.constant 8 : i32
      %mul3A_965 = arith.muli %select_n3A_963, %mul3A_964 : i32
      %jit3A_966 = arith.constant 4 : i32
      %eq3A_967 = arith.constant 0 : i32
      %eq3A_968 = arith.cmpi eq, %jit3A_966, %eq3A_967 : i32
      %jit3A_969 = arith.constant 1 : i32
      %select_n3A_970 = arith.select %eq3A_968, %jit3A_969, %jit3A_966 : i32
      %rem3A_971 = arith.remsi %add3A_893, %select_n3A_970 : i32
      %ne3A_972 = arith.constant 0 : i32
      %ne3A_973 = arith.cmpi ne, %rem3A_971, %ne3A_972 : i32
      %lt3A_974 = arith.constant 0 : i32
      %lt3A_975 = arith.cmpi slt, %rem3A_971, %lt3A_974 : i32
      %lt3A_976 = arith.constant 0 : i32
      %lt3A_977 = arith.cmpi slt, %select_n3A_970, %lt3A_976 : i32
      %ne3A_978 = arith.xori %lt3A_975, %lt3A_977 : i1
      %and3A_979 = arith.andi %ne3A_978, %ne3A_973 : i1
      %add3A_980 = arith.addi %rem3A_971, %select_n3A_970 : i32
      %select_n3A_981 = arith.select %and3A_979, %add3A_980, %rem3A_971 : i32
      %mul3A_982 = arith.constant 1024 : i32
      %mul3A_983 = arith.muli %select_n3A_981, %mul3A_982 : i32
      %dma_wait3A_984 = tpu.memref_slice %arg4[%mul3A_965, %mul3A_983] : memref<4096x4096xf32, #tpu.memory_space<hbm>> -> memref<8x1024xf32, #tpu.memory_space<hbm>>
      %dma_wait3A_985 = tpu.memref_slice %arg4[%mul3A_965, %mul3A_983] : memref<4096x4096xf32, #tpu.memory_space<hbm>> -> memref<8x1024xf32, #tpu.memory_space<hbm>>
      tpu.wait_dma2 semaphore(%arg21 : memref<!tpu.dma_semaphore, #tpu.memory_space<semaphore_mem>>) src(%dma_wait3A_985 : memref<8x1024xf32, #tpu.memory_space<hbm>>) dst(%arg13 : memref<8x1024xf32, #tpu.memory_space<vmem>>)
      %gt3A_986 = arith.constant 0 : i32
      %gt3A_987 = arith.cmpi sgt, %scan3A_580, %gt3A_986 : i32
      %convert_element_type3A_988 = arith.extui %gt3A_987 : i1 to i32
      %cond3A_989 = arith.constant 0 : i32
      %cond3A_990 = arith.cmpi ne, %convert_element_type3A_988, %cond3A_989 : i32
      scf.if %cond3A_990 {
        %sub3A_1201 = arith.constant 4 : i32
        %sub3A_1202 = arith.subi %add3A_893, %sub3A_1201 : i32
        %jit3A_1203 = arith.constant 4 : i32
        %div3A_1204 = arith.divsi %sub3A_1202, %jit3A_1203 : i32
        %sign3A_1205 = arith.constant 0 : i32
        %sign3A_1206 = arith.cmpi sgt, %sub3A_1202, %sign3A_1205 : i32
        %sign3A_1207 = arith.extui %sign3A_1206 : i1 to i32
        %sign3A_1208 = arith.constant 0 : i32
        %sign3A_1209 = arith.cmpi slt, %sub3A_1202, %sign3A_1208 : i32
        %sign3A_1210 = arith.extui %sign3A_1209 : i1 to i32
        %sign3A_1211 = arith.subi %sign3A_1207, %sign3A_1210 : i32
        %sign3A_1212 = arith.constant 0 : i32
        %sign3A_1213 = arith.cmpi sgt, %jit3A_1203, %sign3A_1212 : i32
        %sign3A_1214 = arith.extui %sign3A_1213 : i1 to i32
        %sign3A_1215 = arith.constant 0 : i32
        %sign3A_1216 = arith.cmpi slt, %jit3A_1203, %sign3A_1215 : i32
        %sign3A_1217 = arith.extui %sign3A_1216 : i1 to i32
        %sign3A_1218 = arith.subi %sign3A_1214, %sign3A_1217 : i32
        %ne3A_1219 = arith.cmpi ne, %sign3A_1211, %sign3A_1218 : i32
        %rem3A_1220 = arith.remsi %sub3A_1202, %jit3A_1203 : i32
        %ne3A_1221 = arith.constant 0 : i32
        %ne3A_1222 = arith.cmpi ne, %rem3A_1220, %ne3A_1221 : i32
        %and3A_1223 = arith.andi %ne3A_1219, %ne3A_1222 : i1
        %sub3A_1224 = arith.constant 1 : i32
        %sub3A_1225 = arith.subi %div3A_1204, %sub3A_1224 : i32
        %select_n3A_1226 = arith.select %and3A_1223, %sub3A_1225, %div3A_1204 : i32
        %mul3A_1227 = arith.constant 8 : i32
        %mul3A_1228 = arith.muli %select_n3A_1226, %mul3A_1227 : i32
        %jit3A_1229 = arith.constant 4 : i32
        %eq3A_1230 = arith.constant 0 : i32
        %eq3A_1231 = arith.cmpi eq, %jit3A_1229, %eq3A_1230 : i32
        %jit3A_1232 = arith.constant 1 : i32
        %select_n3A_1233 = arith.select %eq3A_1231, %jit3A_1232, %jit3A_1229 : i32
        %rem3A_1234 = arith.remsi %sub3A_1202, %select_n3A_1233 : i32
        %ne3A_1235 = arith.constant 0 : i32
        %ne3A_1236 = arith.cmpi ne, %rem3A_1234, %ne3A_1235 : i32
        %lt3A_1237 = arith.constant 0 : i32
        %lt3A_1238 = arith.cmpi slt, %rem3A_1234, %lt3A_1237 : i32
        %lt3A_1239 = arith.constant 0 : i32
        %lt3A_1240 = arith.cmpi slt, %select_n3A_1233, %lt3A_1239 : i32
        %ne3A_1241 = arith.xori %lt3A_1238, %lt3A_1240 : i1
        %and3A_1242 = arith.andi %ne3A_1241, %ne3A_1236 : i1
        %add3A_1243 = arith.addi %rem3A_1234, %select_n3A_1233 : i32
        %select_n3A_1244 = arith.select %and3A_1242, %add3A_1243, %rem3A_1234 : i32
        %mul3A_1245 = arith.constant 1024 : i32
        %mul3A_1246 = arith.muli %select_n3A_1244, %mul3A_1245 : i32
        %dma_wait3A_1247 = tpu.memref_slice %arg5[%mul3A_1228, %mul3A_1246] : memref<4096x4096xf32, #tpu.memory_space<hbm>> -> memref<8x1024xf32, #tpu.memory_space<hbm>>
        %dma_wait3A_1248 = tpu.memref_slice %arg5[%mul3A_1228, %mul3A_1246] : memref<4096x4096xf32, #tpu.memory_space<hbm>> -> memref<8x1024xf32, #tpu.memory_space<hbm>>
        tpu.wait_dma2 semaphore(%arg25 : memref<!tpu.dma_semaphore, #tpu.memory_space<semaphore_mem>>) src(%arg17 : memref<8x1024xf32, #tpu.memory_space<vmem>>) dst(%dma_wait3A_1248 : memref<8x1024xf32, #tpu.memory_space<hbm>>)
      } else {
      }
      %parallel_loop3A_991 = arith.constant 0 : i32
      %parallel_loop3A_992 = arith.constant 512 : i32
      %parallel_loop3A_993 = arith.constant 1 : i32
      scf.for %parallel_loop3A_1201 = %parallel_loop3A_991 to %parallel_loop3A_992 step %parallel_loop3A_993  : i32 {
        %parallel_loop3A_1202 = arith.constant 6 : i32
        %parallel_loop3A_1203 = arith.shrsi %parallel_loop3A_1201, %parallel_loop3A_1202 : i32
        %parallel_loop3A_1204 = arith.constant 63 : i32
        %parallel_loop3A_1205 = arith.andi %parallel_loop3A_1201, %parallel_loop3A_1204 : i32
        %parallel_loop3A_1206 = arith.constant 16 : i32
        %parallel_loop3A_1207 = arith.muli %parallel_loop3A_1205, %parallel_loop3A_1206 : i32
        %parallel_loop3A_1208 = arith.index_cast %parallel_loop3A_1203 : i32 to index
        %parallel_loop3A_1209 = arith.index_cast %parallel_loop3A_1207 : i32 to index
        %parallel_loop3A_1210 = tpu.vector_load %arg9[%parallel_loop3A_1208, %parallel_loop3A_1209] {strides = array<i32>} : memref<8x1024xi32, #tpu.memory_space<vmem>>, vector<16xi32>,
        %parallel_loop3A_1211 = arith.constant 0 : i32
        %parallel_loop3A_1212 = vector.broadcast %parallel_loop3A_1211 : i32 to vector<16xi32>
        %parallel_loop3A_1213 = arith.maxsi %parallel_loop3A_1210, %parallel_loop3A_1212 : vector<16xi32>
        %parallel_loop3A_1214 = tpu.vector_load_idx %arg6[%parallel_loop3A_1213] : memref<8192xf32, #tpu.memory_space<vmem>>[vector<16xi32>], vector<16xf32>,
        %parallel_loop3A_1215 = arith.index_cast %parallel_loop3A_1203 : i32 to index
        %parallel_loop3A_1216 = arith.index_cast %parallel_loop3A_1207 : i32 to index
        %parallel_loop3A_1217 = tpu.vector_load %arg13[%parallel_loop3A_1215, %parallel_loop3A_1216] {strides = array<i32>} : memref<8x1024xf32, #tpu.memory_space<vmem>>, vector<16xf32>,
        %parallel_loop3A_1218 = arith.mulf %parallel_loop3A_1214, %parallel_loop3A_1217 : vector<16xf32>
        %parallel_loop3A_1219 = arith.index_cast %parallel_loop3A_1203 : i32 to index
        %parallel_loop3A_1220 = arith.index_cast %parallel_loop3A_1207 : i32 to index
        %parallel_loop3A_1221 = tpu.vector_load %arg17[%parallel_loop3A_1219, %parallel_loop3A_1220] {strides = array<i32>} : memref<8x1024xf32, #tpu.memory_space<vmem>>, vector<16xf32>,
        tpu.vector_store %arg17[%parallel_loop3A_1219, %parallel_loop3A_1220], %parallel_loop3A_1218 {strides = array<i32>} : memref<8x1024xf32, #tpu.memory_space<vmem>>, vector<16xf32>,
      } {sc.loop_unroll_factor = 16 : i64, sc.parallel_access}
      %jit3A_994 = arith.constant 4 : i32
      %div3A_995 = arith.divsi %add3A_893, %jit3A_994 : i32
      %sign3A_996 = arith.constant 0 : i32
      %sign3A_997 = arith.cmpi sgt, %add3A_893, %sign3A_996 : i32
      %sign3A_998 = arith.extui %sign3A_997 : i1 to i32
      %sign3A_999 = arith.constant 0 : i32
      %sign3A_1000 = arith.cmpi slt, %add3A_893, %sign3A_999 : i32
      %sign3A_1001 = arith.extui %sign3A_1000 : i1 to i32
      %sign3A_1002 = arith.subi %sign3A_998, %sign3A_1001 : i32
      %sign3A_1003 = arith.constant 0 : i32
      %sign3A_1004 = arith.cmpi sgt, %jit3A_994, %sign3A_1003 : i32
      %sign3A_1005 = arith.extui %sign3A_1004 : i1 to i32
      %sign3A_1006 = arith.constant 0 : i32
      %sign3A_1007 = arith.cmpi slt, %jit3A_994, %sign3A_1006 : i32
      %sign3A_1008 = arith.extui %sign3A_1007 : i1 to i32
      %sign3A_1009 = arith.subi %sign3A_1005, %sign3A_1008 : i32
      %ne3A_1010 = arith.cmpi ne, %sign3A_1002, %sign3A_1009 : i32
      %rem3A_1011 = arith.remsi %add3A_893, %jit3A_994 : i32
      %ne3A_1012 = arith.constant 0 : i32
      %ne3A_1013 = arith.cmpi ne, %rem3A_1011, %ne3A_1012 : i32
      %and3A_1014 = arith.andi %ne3A_1010, %ne3A_1013 : i1
      %sub3A_1015 = arith.constant 1 : i32
      %sub3A_1016 = arith.subi %div3A_995, %sub3A_1015 : i32
      %select_n3A_1017 = arith.select %and3A_1014, %sub3A_1016, %div3A_995 : i32
      %mul3A_1018 = arith.constant 8 : i32
      %mul3A_1019 = arith.muli %select_n3A_1017, %mul3A_1018 : i32
      %jit3A_1020 = arith.constant 4 : i32
      %eq3A_1021 = arith.constant 0 : i32
      %eq3A_1022 = arith.cmpi eq, %jit3A_1020, %eq3A_1021 : i32
      %jit3A_1023 = arith.constant 1 : i32
      %select_n3A_1024 = arith.select %eq3A_1022, %jit3A_1023, %jit3A_1020 : i32
      %rem3A_1025 = arith.remsi %add3A_893, %select_n3A_1024 : i32
      %ne3A_1026 = arith.constant 0 : i32
      %ne3A_1027 = arith.cmpi ne, %rem3A_1025, %ne3A_1026 : i32
      %lt3A_1028 = arith.constant 0 : i32
      %lt3A_1029 = arith.cmpi slt, %rem3A_1025, %lt3A_1028 : i32
      %lt3A_1030 = arith.constant 0 : i32
      %lt3A_1031 = arith.cmpi slt, %select_n3A_1024, %lt3A_1030 : i32
      %ne3A_1032 = arith.xori %lt3A_1029, %lt3A_1031 : i1
      %and3A_1033 = arith.andi %ne3A_1032, %ne3A_1027 : i1
      %add3A_1034 = arith.addi %rem3A_1025, %select_n3A_1024 : i32
      %select_n3A_1035 = arith.select %and3A_1033, %add3A_1034, %rem3A_1025 : i32
      %mul3A_1036 = arith.constant 1024 : i32
      %mul3A_1037 = arith.muli %select_n3A_1035, %mul3A_1036 : i32
      %dma_start3A_1038 = tpu.memref_slice %arg5[%mul3A_1019, %mul3A_1037] : memref<4096x4096xf32, #tpu.memory_space<hbm>> -> memref<8x1024xf32, #tpu.memory_space<hbm>>
      %dma_start3A_1039 = tpu.memref_slice %arg5[%mul3A_1019, %mul3A_1037] : memref<4096x4096xf32, #tpu.memory_space<hbm>> -> memref<8x1024xf32, #tpu.memory_space<hbm>>
      tpu.enqueue_dma source(%arg17 : memref<8x1024xf32, #tpu.memory_space<vmem>>) target(%dma_start3A_1039 : memref<8x1024xf32, #tpu.memory_space<hbm>>) target_semaphore(%arg25 : memref<!tpu.dma_semaphore, #tpu.memory_space<semaphore_mem>>)
      %lt3A_1040 = arith.constant 15 : i32
      %lt3A_1041 = arith.cmpi slt, %scan3A_580, %lt3A_1040 : i32
      %convert_element_type3A_1042 = arith.extui %lt3A_1041 : i1 to i32
      %cond3A_1043 = arith.constant 0 : i32
      %cond3A_1044 = arith.cmpi ne, %convert_element_type3A_1042, %cond3A_1043 : i32
      scf.if %cond3A_1044 {
        %add3A_1201 = arith.constant 4 : i32
        %add3A_1202 = arith.addi %add3A_893, %add3A_1201 : i32
        %jit3A_1203 = arith.constant 4 : i32
        %div3A_1204 = arith.divsi %add3A_1202, %jit3A_1203 : i32
        %sign3A_1205 = arith.constant 0 : i32
        %sign3A_1206 = arith.cmpi sgt, %add3A_1202, %sign3A_1205 : i32
        %sign3A_1207 = arith.extui %sign3A_1206 : i1 to i32
        %sign3A_1208 = arith.constant 0 : i32
        %sign3A_1209 = arith.cmpi slt, %add3A_1202, %sign3A_1208 : i32
        %sign3A_1210 = arith.extui %sign3A_1209 : i1 to i32
        %sign3A_1211 = arith.subi %sign3A_1207, %sign3A_1210 : i32
        %sign3A_1212 = arith.constant 0 : i32
        %sign3A_1213 = arith.cmpi sgt, %jit3A_1203, %sign3A_1212 : i32
        %sign3A_1214 = arith.extui %sign3A_1213 : i1 to i32
        %sign3A_1215 = arith.constant 0 : i32
        %sign3A_1216 = arith.cmpi slt, %jit3A_1203, %sign3A_1215 : i32
        %sign3A_1217 = arith.extui %sign3A_1216 : i1 to i32
        %sign3A_1218 = arith.subi %sign3A_1214, %sign3A_1217 : i32
        %ne3A_1219 = arith.cmpi ne, %sign3A_1211, %sign3A_1218 : i32
        %rem3A_1220 = arith.remsi %add3A_1202, %jit3A_1203 : i32
        %ne3A_1221 = arith.constant 0 : i32
        %ne3A_1222 = arith.cmpi ne, %rem3A_1220, %ne3A_1221 : i32
        %and3A_1223 = arith.andi %ne3A_1219, %ne3A_1222 : i1
        %sub3A_1224 = arith.constant 1 : i32
        %sub3A_1225 = arith.subi %div3A_1204, %sub3A_1224 : i32
        %select_n3A_1226 = arith.select %and3A_1223, %sub3A_1225, %div3A_1204 : i32
        %mul3A_1227 = arith.constant 8 : i32
        %mul3A_1228 = arith.muli %select_n3A_1226, %mul3A_1227 : i32
        %jit3A_1229 = arith.constant 4 : i32
        %eq3A_1230 = arith.constant 0 : i32
        %eq3A_1231 = arith.cmpi eq, %jit3A_1229, %eq3A_1230 : i32
        %jit3A_1232 = arith.constant 1 : i32
        %select_n3A_1233 = arith.select %eq3A_1231, %jit3A_1232, %jit3A_1229 : i32
        %rem3A_1234 = arith.remsi %add3A_1202, %select_n3A_1233 : i32
        %ne3A_1235 = arith.constant 0 : i32
        %ne3A_1236 = arith.cmpi ne, %rem3A_1234, %ne3A_1235 : i32
        %lt3A_1237 = arith.constant 0 : i32
        %lt3A_1238 = arith.cmpi slt, %rem3A_1234, %lt3A_1237 : i32
        %lt3A_1239 = arith.constant 0 : i32
        %lt3A_1240 = arith.cmpi slt, %select_n3A_1233, %lt3A_1239 : i32
        %ne3A_1241 = arith.xori %lt3A_1238, %lt3A_1240 : i1
        %and3A_1242 = arith.andi %ne3A_1241, %ne3A_1236 : i1
        %add3A_1243 = arith.addi %rem3A_1234, %select_n3A_1233 : i32
        %select_n3A_1244 = arith.select %and3A_1242, %add3A_1243, %rem3A_1234 : i32
        %mul3A_1245 = arith.constant 1024 : i32
        %mul3A_1246 = arith.muli %select_n3A_1244, %mul3A_1245 : i32
        %dma_start3A_1247 = tpu.memref_slice %arg3[%mul3A_1228, %mul3A_1246] : memref<4096x4096xi32, #tpu.memory_space<hbm>> -> memref<8x1024xi32, #tpu.memory_space<hbm>>
        %dma_start3A_1248 = tpu.memref_slice %arg3[%mul3A_1228, %mul3A_1246] : memref<4096x4096xi32, #tpu.memory_space<hbm>> -> memref<8x1024xi32, #tpu.memory_space<hbm>>
        tpu.enqueue_dma source(%dma_start3A_1248 : memref<8x1024xi32, #tpu.memory_space<hbm>>) target(%arg9 : memref<8x1024xi32, #tpu.memory_space<vmem>>) target_semaphore(%arg21 : memref<!tpu.dma_semaphore, #tpu.memory_space<semaphore_mem>>)
        %jit3A_1249 = arith.constant 4 : i32
        %div3A_1250 = arith.divsi %add3A_1202, %jit3A_1249 : i32
        %sign3A_1251 = arith.constant 0 : i32
        %sign3A_1252 = arith.cmpi sgt, %add3A_1202, %sign3A_1251 : i32
        %sign3A_1253 = arith.extui %sign3A_1252 : i1 to i32
        %sign3A_1254 = arith.constant 0 : i32
        %sign3A_1255 = arith.cmpi slt, %add3A_1202, %sign3A_1254 : i32
        %sign3A_1256 = arith.extui %sign3A_1255 : i1 to i32
        %sign3A_1257 = arith.subi %sign3A_1253, %sign3A_1256 : i32
        %sign3A_1258 = arith.constant 0 : i32
        %sign3A_1259 = arith.cmpi sgt, %jit3A_1249, %sign3A_1258 : i32
        %sign3A_1260 = arith.extui %sign3A_1259 : i1 to i32
        %sign3A_1261 = arith.constant 0 : i32
        %sign3A_1262 = arith.cmpi slt, %jit3A_1249, %sign3A_1261 : i32
        %sign3A_1263 = arith.extui %sign3A_1262 : i1 to i32
        %sign3A_1264 = arith.subi %sign3A_1260, %sign3A_1263 : i32
        %ne3A_1265 = arith.cmpi ne, %sign3A_1257, %sign3A_1264 : i32
        %rem3A_1266 = arith.remsi %add3A_1202, %jit3A_1249 : i32
        %ne3A_1267 = arith.constant 0 : i32
        %ne3A_1268 = arith.cmpi ne, %rem3A_1266, %ne3A_1267 : i32
        %and3A_1269 = arith.andi %ne3A_1265, %ne3A_1268 : i1
        %sub3A_1270 = arith.constant 1 : i32
        %sub3A_1271 = arith.subi %div3A_1250, %sub3A_1270 : i32
        %select_n3A_1272 = arith.select %and3A_1269, %sub3A_1271, %div3A_1250 : i32
        %mul3A_1273 = arith.constant 8 : i32
        %mul3A_1274 = arith.muli %select_n3A_1272, %mul3A_1273 : i32
        %jit3A_1275 = arith.constant 4 : i32
        %eq3A_1276 = arith.constant 0 : i32
        %eq3A_1277 = arith.cmpi eq, %jit3A_1275, %eq3A_1276 : i32
        %jit3A_1278 = arith.constant 1 : i32
        %select_n3A_1279 = arith.select %eq3A_1277, %jit3A_1278, %jit3A_1275 : i32
        %rem3A_1280 = arith.remsi %add3A_1202, %select_n3A_1279 : i32
        %ne3A_1281 = arith.constant 0 : i32
        %ne3A_1282 = arith.cmpi ne, %rem3A_1280, %ne3A_1281 : i32
        %lt3A_1283 = arith.constant 0 : i32
        %lt3A_1284 = arith.cmpi slt, %rem3A_1280, %lt3A_1283 : i32
        %lt3A_1285 = arith.constant 0 : i32
        %lt3A_1286 = arith.cmpi slt, %select_n3A_1279, %lt3A_1285 : i32
        %ne3A_1287 = arith.xori %lt3A_1284, %lt3A_1286 : i1
        %and3A_1288 = arith.andi %ne3A_1287, %ne3A_1282 : i1
        %add3A_1289 = arith.addi %rem3A_1280, %select_n3A_1279 : i32
        %select_n3A_1290 = arith.select %and3A_1288, %add3A_1289, %rem3A_1280 : i32
        %mul3A_1291 = arith.constant 1024 : i32
        %mul3A_1292 = arith.muli %select_n3A_1290, %mul3A_1291 : i32
        %dma_start3A_1293 = tpu.memref_slice %arg4[%mul3A_1274, %mul3A_1292] : memref<4096x4096xf32, #tpu.memory_space<hbm>> -> memref<8x1024xf32, #tpu.memory_space<hbm>>
        %dma_start3A_1294 = tpu.memref_slice %arg4[%mul3A_1274, %mul3A_1292] : memref<4096x4096xf32, #tpu.memory_space<hbm>> -> memref<8x1024xf32, #tpu.memory_space<hbm>>
        tpu.enqueue_dma source(%dma_start3A_1294 : memref<8x1024xf32, #tpu.memory_space<hbm>>) target(%arg13 : memref<8x1024xf32, #tpu.memory_space<vmem>>) target_semaphore(%arg21 : memref<!tpu.dma_semaphore, #tpu.memory_space<semaphore_mem>>)
      } else {
      }
      %mul3A_1045 = arith.constant 4 : i32
      %mul3A_1046 = arith.muli %mul3A_1045, %scan3A_580 : i32
      %add3A_1047 = arith.addi %mul3A_2, %mul3A_1046 : i32
      %add3A_1048 = arith.constant 3 : i32
      %add3A_1049 = arith.addi %add3A_1047, %add3A_1048 : i32
      %jit3A_1050 = arith.constant 4 : i32
      %div3A_1051 = arith.divsi %add3A_1049, %jit3A_1050 : i32
      %sign3A_1052 = arith.constant 0 : i32
      %sign3A_1053 = arith.cmpi sgt, %add3A_1049, %sign3A_1052 : i32
      %sign3A_1054 = arith.extui %sign3A_1053 : i1 to i32
      %sign3A_1055 = arith.constant 0 : i32
      %sign3A_1056 = arith.cmpi slt, %add3A_1049, %sign3A_1055 : i32
      %sign3A_1057 = arith.extui %sign3A_1056 : i1 to i32
      %sign3A_1058 = arith.subi %sign3A_1054, %sign3A_1057 : i32
      %sign3A_1059 = arith.constant 0 : i32
      %sign3A_1060 = arith.cmpi sgt, %jit3A_1050, %sign3A_1059 : i32
      %sign3A_1061 = arith.extui %sign3A_1060 : i1 to i32
      %sign3A_1062 = arith.constant 0 : i32
      %sign3A_1063 = arith.cmpi slt, %jit3A_1050, %sign3A_1062 : i32
      %sign3A_1064 = arith.extui %sign3A_1063 : i1 to i32
      %sign3A_1065 = arith.subi %sign3A_1061, %sign3A_1064 : i32
      %ne3A_1066 = arith.cmpi ne, %sign3A_1058, %sign3A_1065 : i32
      %rem3A_1067 = arith.remsi %add3A_1049, %jit3A_1050 : i32
      %ne3A_1068 = arith.constant 0 : i32
      %ne3A_1069 = arith.cmpi ne, %rem3A_1067, %ne3A_1068 : i32
      %and3A_1070 = arith.andi %ne3A_1066, %ne3A_1069 : i1
      %sub3A_1071 = arith.constant 1 : i32
      %sub3A_1072 = arith.subi %div3A_1051, %sub3A_1071 : i32
      %select_n3A_1073 = arith.select %and3A_1070, %sub3A_1072, %div3A_1051 : i32
      %mul3A_1074 = arith.constant 8 : i32
      %mul3A_1075 = arith.muli %select_n3A_1073, %mul3A_1074 : i32
      %jit3A_1076 = arith.constant 4 : i32
      %eq3A_1077 = arith.constant 0 : i32
      %eq3A_1078 = arith.cmpi eq, %jit3A_1076, %eq3A_1077 : i32
      %jit3A_1079 = arith.constant 1 : i32
      %select_n3A_1080 = arith.select %eq3A_1078, %jit3A_1079, %jit3A_1076 : i32
      %rem3A_1081 = arith.remsi %add3A_1049, %select_n3A_1080 : i32
      %ne3A_1082 = arith.constant 0 : i32
      %ne3A_1083 = arith.cmpi ne, %rem3A_1081, %ne3A_1082 : i32
      %lt3A_1084 = arith.constant 0 : i32
      %lt3A_1085 = arith.cmpi slt, %rem3A_1081, %lt3A_1084 : i32
      %lt3A_1086 = arith.constant 0 : i32
      %lt3A_1087 = arith.cmpi slt, %select_n3A_1080, %lt3A_1086 : i32
      %ne3A_1088 = arith.xori %lt3A_1085, %lt3A_1087 : i1
      %and3A_1089 = arith.andi %ne3A_1088, %ne3A_1083 : i1
      %add3A_1090 = arith.addi %rem3A_1081, %select_n3A_1080 : i32
      %select_n3A_1091 = arith.select %and3A_1089, %add3A_1090, %rem3A_1081 : i32
      %mul3A_1092 = arith.constant 1024 : i32
      %mul3A_1093 = arith.muli %select_n3A_1091, %mul3A_1092 : i32
      %dma_wait3A_1094 = tpu.memref_slice %arg3[%mul3A_1075, %mul3A_1093] : memref<4096x4096xi32, #tpu.memory_space<hbm>> -> memref<8x1024xi32, #tpu.memory_space<hbm>>
      %dma_wait3A_1095 = tpu.memref_slice %arg3[%mul3A_1075, %mul3A_1093] : memref<4096x4096xi32, #tpu.memory_space<hbm>> -> memref<8x1024xi32, #tpu.memory_space<hbm>>
      tpu.wait_dma2 semaphore(%arg22 : memref<!tpu.dma_semaphore, #tpu.memory_space<semaphore_mem>>) src(%dma_wait3A_1095 : memref<8x1024xi32, #tpu.memory_space<hbm>>) dst(%arg10 : memref<8x1024xi32, #tpu.memory_space<vmem>>)
      %jit3A_1096 = arith.constant 4 : i32
      %div3A_1097 = arith.divsi %add3A_1049, %jit3A_1096 : i32
      %sign3A_1098 = arith.constant 0 : i32
      %sign3A_1099 = arith.cmpi sgt, %add3A_1049, %sign3A_1098 : i32
      %sign3A_1100 = arith.extui %sign3A_1099 : i1 to i32
      %sign3A_1101 = arith.constant 0 : i32
      %sign3A_1102 = arith.cmpi slt, %add3A_1049, %sign3A_1101 : i32
      %sign3A_1103 = arith.extui %sign3A_1102 : i1 to i32
      %sign3A_1104 = arith.subi %sign3A_1100, %sign3A_1103 : i32
      %sign3A_1105 = arith.constant 0 : i32
      %sign3A_1106 = arith.cmpi sgt, %jit3A_1096, %sign3A_1105 : i32
      %sign3A_1107 = arith.extui %sign3A_1106 : i1 to i32
      %sign3A_1108 = arith.constant 0 : i32
      %sign3A_1109 = arith.cmpi slt, %jit3A_1096, %sign3A_1108 : i32
      %sign3A_1110 = arith.extui %sign3A_1109 : i1 to i32
      %sign3A_1111 = arith.subi %sign3A_1107, %sign3A_1110 : i32
      %ne3A_1112 = arith.cmpi ne, %sign3A_1104, %sign3A_1111 : i32
      %rem3A_1113 = arith.remsi %add3A_1049, %jit3A_1096 : i32
      %ne3A_1114 = arith.constant 0 : i32
      %ne3A_1115 = arith.cmpi ne, %rem3A_1113, %ne3A_1114 : i32
      %and3A_1116 = arith.andi %ne3A_1112, %ne3A_1115 : i1
      %sub3A_1117 = arith.constant 1 : i32
      %sub3A_1118 = arith.subi %div3A_1097, %sub3A_1117 : i32
      %select_n3A_1119 = arith.select %and3A_1116, %sub3A_1118, %div3A_1097 : i32
      %mul3A_1120 = arith.constant 8 : i32
      %mul3A_1121 = arith.muli %select_n3A_1119, %mul3A_1120 : i32
      %jit3A_1122 = arith.constant 4 : i32
      %eq3A_1123 = arith.constant 0 : i32
      %eq3A_1124 = arith.cmpi eq, %jit3A_1122, %eq3A_1123 : i32
      %jit3A_1125 = arith.constant 1 : i32
      %select_n3A_1126 = arith.select %eq3A_1124, %jit3A_1125, %jit3A_1122 : i32
      %rem3A_1127 = arith.remsi %add3A_1049, %select_n3A_1126 : i32
      %ne3A_1128 = arith.constant 0 : i32
      %ne3A_1129 = arith.cmpi ne, %rem3A_1127, %ne3A_1128 : i32
      %lt3A_1130 = arith.constant 0 : i32
      %lt3A_1131 = arith.cmpi slt, %rem3A_1127, %lt3A_1130 : i32
      %lt3A_1132 = arith.constant 0 : i32
      %lt3A_1133 = arith.cmpi slt, %select_n3A_1126, %lt3A_1132 : i32
      %ne3A_1134 = arith.xori %lt3A_1131, %lt3A_1133 : i1
      %and3A_1135 = arith.andi %ne3A_1134, %ne3A_1129 : i1
      %add3A_1136 = arith.addi %rem3A_1127, %select_n3A_1126 : i32
      %select_n3A_1137 = arith.select %and3A_1135, %add3A_1136, %rem3A_1127 : i32
      %mul3A_1138 = arith.constant 1024 : i32
      %mul3A_1139 = arith.muli %select_n3A_1137, %mul3A_1138 : i32
      %dma_wait3A_1140 = tpu.memref_slice %arg4[%mul3A_1121, %mul3A_1139] : memref<4096x4096xf32, #tpu.memory_space<hbm>> -> memref<8x1024xf32, #tpu.memory_space<hbm>>
      %dma_wait3A_1141 = tpu.memref_slice %arg4[%mul3A_1121, %mul3A_1139] : memref<4096x4096xf32, #tpu.memory_space<hbm>> -> memref<8x1024xf32, #tpu.memory_space<hbm>>
      tpu.wait_dma2 semaphore(%arg22 : memref<!tpu.dma_semaphore, #tpu.memory_space<semaphore_mem>>) src(%dma_wait3A_1141 : memref<8x1024xf32, #tpu.memory_space<hbm>>) dst(%arg14 : memref<8x1024xf32, #tpu.memory_space<vmem>>)
      %gt3A_1142 = arith.constant 0 : i32
      %gt3A_1143 = arith.cmpi sgt, %scan3A_580, %gt3A_1142 : i32
      %convert_element_type3A_1144 = arith.extui %gt3A_1143 : i1 to i32
      %cond3A_1145 = arith.constant 0 : i32
      %cond3A_1146 = arith.cmpi ne, %convert_element_type3A_1144, %cond3A_1145 : i32
      scf.if %cond3A_1146 {
        %sub3A_1201 = arith.constant 4 : i32
        %sub3A_1202 = arith.subi %add3A_1049, %sub3A_1201 : i32
        %jit3A_1203 = arith.constant 4 : i32
        %div3A_1204 = arith.divsi %sub3A_1202, %jit3A_1203 : i32
        %sign3A_1205 = arith.constant 0 : i32
        %sign3A_1206 = arith.cmpi sgt, %sub3A_1202, %sign3A_1205 : i32
        %sign3A_1207 = arith.extui %sign3A_1206 : i1 to i32
        %sign3A_1208 = arith.constant 0 : i32
        %sign3A_1209 = arith.cmpi slt, %sub3A_1202, %sign3A_1208 : i32
        %sign3A_1210 = arith.extui %sign3A_1209 : i1 to i32
        %sign3A_1211 = arith.subi %sign3A_1207, %sign3A_1210 : i32
        %sign3A_1212 = arith.constant 0 : i32
        %sign3A_1213 = arith.cmpi sgt, %jit3A_1203, %sign3A_1212 : i32
        %sign3A_1214 = arith.extui %sign3A_1213 : i1 to i32
        %sign3A_1215 = arith.constant 0 : i32
        %sign3A_1216 = arith.cmpi slt, %jit3A_1203, %sign3A_1215 : i32
        %sign3A_1217 = arith.extui %sign3A_1216 : i1 to i32
        %sign3A_1218 = arith.subi %sign3A_1214, %sign3A_1217 : i32
        %ne3A_1219 = arith.cmpi ne, %sign3A_1211, %sign3A_1218 : i32
        %rem3A_1220 = arith.remsi %sub3A_1202, %jit3A_1203 : i32
        %ne3A_1221 = arith.constant 0 : i32
        %ne3A_1222 = arith.cmpi ne, %rem3A_1220, %ne3A_1221 : i32
        %and3A_1223 = arith.andi %ne3A_1219, %ne3A_1222 : i1
        %sub3A_1224 = arith.constant 1 : i32
        %sub3A_1225 = arith.subi %div3A_1204, %sub3A_1224 : i32
        %select_n3A_1226 = arith.select %and3A_1223, %sub3A_1225, %div3A_1204 : i32
        %mul3A_1227 = arith.constant 8 : i32
        %mul3A_1228 = arith.muli %select_n3A_1226, %mul3A_1227 : i32
        %jit3A_1229 = arith.constant 4 : i32
        %eq3A_1230 = arith.constant 0 : i32
        %eq3A_1231 = arith.cmpi eq, %jit3A_1229, %eq3A_1230 : i32
        %jit3A_1232 = arith.constant 1 : i32
        %select_n3A_1233 = arith.select %eq3A_1231, %jit3A_1232, %jit3A_1229 : i32
        %rem3A_1234 = arith.remsi %sub3A_1202, %select_n3A_1233 : i32
        %ne3A_1235 = arith.constant 0 : i32
        %ne3A_1236 = arith.cmpi ne, %rem3A_1234, %ne3A_1235 : i32
        %lt3A_1237 = arith.constant 0 : i32
        %lt3A_1238 = arith.cmpi slt, %rem3A_1234, %lt3A_1237 : i32
        %lt3A_1239 = arith.constant 0 : i32
        %lt3A_1240 = arith.cmpi slt, %select_n3A_1233, %lt3A_1239 : i32
        %ne3A_1241 = arith.xori %lt3A_1238, %lt3A_1240 : i1
        %and3A_1242 = arith.andi %ne3A_1241, %ne3A_1236 : i1
        %add3A_1243 = arith.addi %rem3A_1234, %select_n3A_1233 : i32
        %select_n3A_1244 = arith.select %and3A_1242, %add3A_1243, %rem3A_1234 : i32
        %mul3A_1245 = arith.constant 1024 : i32
        %mul3A_1246 = arith.muli %select_n3A_1244, %mul3A_1245 : i32
        %dma_wait3A_1247 = tpu.memref_slice %arg5[%mul3A_1228, %mul3A_1246] : memref<4096x4096xf32, #tpu.memory_space<hbm>> -> memref<8x1024xf32, #tpu.memory_space<hbm>>
        %dma_wait3A_1248 = tpu.memref_slice %arg5[%mul3A_1228, %mul3A_1246] : memref<4096x4096xf32, #tpu.memory_space<hbm>> -> memref<8x1024xf32, #tpu.memory_space<hbm>>
        tpu.wait_dma2 semaphore(%arg26 : memref<!tpu.dma_semaphore, #tpu.memory_space<semaphore_mem>>) src(%arg18 : memref<8x1024xf32, #tpu.memory_space<vmem>>) dst(%dma_wait3A_1248 : memref<8x1024xf32, #tpu.memory_space<hbm>>)
      } else {
      }
      %parallel_loop3A_1147 = arith.constant 0 : i32
      %parallel_loop3A_1148 = arith.constant 512 : i32
      %parallel_loop3A_1149 = arith.constant 1 : i32
      scf.for %parallel_loop3A_1201 = %parallel_loop3A_1147 to %parallel_loop3A_1148 step %parallel_loop3A_1149  : i32 {
        %parallel_loop3A_1202 = arith.constant 6 : i32
        %parallel_loop3A_1203 = arith.shrsi %parallel_loop3A_1201, %parallel_loop3A_1202 : i32
        %parallel_loop3A_1204 = arith.constant 63 : i32
        %parallel_loop3A_1205 = arith.andi %parallel_loop3A_1201, %parallel_loop3A_1204 : i32
        %parallel_loop3A_1206 = arith.constant 16 : i32
        %parallel_loop3A_1207 = arith.muli %parallel_loop3A_1205, %parallel_loop3A_1206 : i32
        %parallel_loop3A_1208 = arith.index_cast %parallel_loop3A_1203 : i32 to index
        %parallel_loop3A_1209 = arith.index_cast %parallel_loop3A_1207 : i32 to index
        %parallel_loop3A_1210 = tpu.vector_load %arg10[%parallel_loop3A_1208, %parallel_loop3A_1209] {strides = array<i32>} : memref<8x1024xi32, #tpu.memory_space<vmem>>, vector<16xi32>,
        %parallel_loop3A_1211 = arith.constant 0 : i32
        %parallel_loop3A_1212 = vector.broadcast %parallel_loop3A_1211 : i32 to vector<16xi32>
        %parallel_loop3A_1213 = arith.maxsi %parallel_loop3A_1210, %parallel_loop3A_1212 : vector<16xi32>
        %parallel_loop3A_1214 = tpu.vector_load_idx %arg6[%parallel_loop3A_1213] : memref<8192xf32, #tpu.memory_space<vmem>>[vector<16xi32>], vector<16xf32>,
        %parallel_loop3A_1215 = arith.index_cast %parallel_loop3A_1203 : i32 to index
        %parallel_loop3A_1216 = arith.index_cast %parallel_loop3A_1207 : i32 to index
        %parallel_loop3A_1217 = tpu.vector_load %arg14[%parallel_loop3A_1215, %parallel_loop3A_1216] {strides = array<i32>} : memref<8x1024xf32, #tpu.memory_space<vmem>>, vector<16xf32>,
        %parallel_loop3A_1218 = arith.mulf %parallel_loop3A_1214, %parallel_loop3A_1217 : vector<16xf32>
        %parallel_loop3A_1219 = arith.index_cast %parallel_loop3A_1203 : i32 to index
        %parallel_loop3A_1220 = arith.index_cast %parallel_loop3A_1207 : i32 to index
        %parallel_loop3A_1221 = tpu.vector_load %arg18[%parallel_loop3A_1219, %parallel_loop3A_1220] {strides = array<i32>} : memref<8x1024xf32, #tpu.memory_space<vmem>>, vector<16xf32>,
        tpu.vector_store %arg18[%parallel_loop3A_1219, %parallel_loop3A_1220], %parallel_loop3A_1218 {strides = array<i32>} : memref<8x1024xf32, #tpu.memory_space<vmem>>, vector<16xf32>,
      } {sc.loop_unroll_factor = 16 : i64, sc.parallel_access}
      %jit3A_1150 = arith.constant 4 : i32
      %div3A_1151 = arith.divsi %add3A_1049, %jit3A_1150 : i32
      %sign3A_1152 = arith.constant 0 : i32
      %sign3A_1153 = arith.cmpi sgt, %add3A_1049, %sign3A_1152 : i32
      %sign3A_1154 = arith.extui %sign3A_1153 : i1 to i32
      %sign3A_1155 = arith.constant 0 : i32
      %sign3A_1156 = arith.cmpi slt, %add3A_1049, %sign3A_1155 : i32
      %sign3A_1157 = arith.extui %sign3A_1156 : i1 to i32
      %sign3A_1158 = arith.subi %sign3A_1154, %sign3A_1157 : i32
      %sign3A_1159 = arith.constant 0 : i32
      %sign3A_1160 = arith.cmpi sgt, %jit3A_1150, %sign3A_1159 : i32
      %sign3A_1161 = arith.extui %sign3A_1160 : i1 to i32
      %sign3A_1162 = arith.constant 0 : i32
      %sign3A_1163 = arith.cmpi slt, %jit3A_1150, %sign3A_1162 : i32
      %sign3A_1164 = arith.extui %sign3A_1163 : i1 to i32
      %sign3A_1165 = arith.subi %sign3A_1161, %sign3A_1164 : i32
      %ne3A_1166 = arith.cmpi ne, %sign3A_1158, %sign3A_1165 : i32
      %rem3A_1167 = arith.remsi %add3A_1049, %jit3A_1150 : i32
      %ne3A_1168 = arith.constant 0 : i32
      %ne3A_1169 = arith.cmpi ne, %rem3A_1167, %ne3A_1168 : i32
      %and3A_1170 = arith.andi %ne3A_1166, %ne3A_1169 : i1
      %sub3A_1171 = arith.constant 1 : i32
      %sub3A_1172 = arith.subi %div3A_1151, %sub3A_1171 : i32
      %select_n3A_1173 = arith.select %and3A_1170, %sub3A_1172, %div3A_1151 : i32
      %mul3A_1174 = arith.constant 8 : i32
      %mul3A_1175 = arith.muli %select_n3A_1173, %mul3A_1174 : i32
      %jit3A_1176 = arith.constant 4 : i32
      %eq3A_1177 = arith.constant 0 : i32
      %eq3A_1178 = arith.cmpi eq, %jit3A_1176, %eq3A_1177 : i32
      %jit3A_1179 = arith.constant 1 : i32
      %select_n3A_1180 = arith.select %eq3A_1178, %jit3A_1179, %jit3A_1176 : i32
      %rem3A_1181 = arith.remsi %add3A_1049, %select_n3A_1180 : i32
      %ne3A_1182 = arith.constant 0 : i32
      %ne3A_1183 = arith.cmpi ne, %rem3A_1181, %ne3A_1182 : i32
      %lt3A_1184 = arith.constant 0 : i32
      %lt3A_1185 = arith.cmpi slt, %rem3A_1181, %lt3A_1184 : i32
      %lt3A_1186 = arith.constant 0 : i32
      %lt3A_1187 = arith.cmpi slt, %select_n3A_1180, %lt3A_1186 : i32
      %ne3A_1188 = arith.xori %lt3A_1185, %lt3A_1187 : i1
      %and3A_1189 = arith.andi %ne3A_1188, %ne3A_1183 : i1
      %add3A_1190 = arith.addi %rem3A_1181, %select_n3A_1180 : i32
      %select_n3A_1191 = arith.select %and3A_1189, %add3A_1190, %rem3A_1181 : i32
      %mul3A_1192 = arith.constant 1024 : i32
      %mul3A_1193 = arith.muli %select_n3A_1191, %mul3A_1192 : i32
      %dma_start3A_1194 = tpu.memref_slice %arg5[%mul3A_1175, %mul3A_1193] : memref<4096x4096xf32, #tpu.memory_space<hbm>> -> memref<8x1024xf32, #tpu.memory_space<hbm>>
      %dma_start3A_1195 = tpu.memref_slice %arg5[%mul3A_1175, %mul3A_1193] : memref<4096x4096xf32, #tpu.memory_space<hbm>> -> memref<8x1024xf32, #tpu.memory_space<hbm>>
      tpu.enqueue_dma source(%arg18 : memref<8x1024xf32, #tpu.memory_space<vmem>>) target(%dma_start3A_1195 : memref<8x1024xf32, #tpu.memory_space<hbm>>) target_semaphore(%arg26 : memref<!tpu.dma_semaphore, #tpu.memory_space<semaphore_mem>>)
      %lt3A_1196 = arith.constant 15 : i32
      %lt3A_1197 = arith.cmpi slt, %scan3A_580, %lt3A_1196 : i32
      %convert_element_type3A_1198 = arith.extui %lt3A_1197 : i1 to i32
      %cond3A_1199 = arith.constant 0 : i32
      %cond3A_1200 = arith.cmpi ne, %convert_element_type3A_1198, %cond3A_1199 : i32
      scf.if %cond3A_1200 {
        %add3A_1201 = arith.constant 4 : i32
        %add3A_1202 = arith.addi %add3A_1049, %add3A_1201 : i32
        %jit3A_1203 = arith.constant 4 : i32
        %div3A_1204 = arith.divsi %add3A_1202, %jit3A_1203 : i32
        %sign3A_1205 = arith.constant 0 : i32
        %sign3A_1206 = arith.cmpi sgt, %add3A_1202, %sign3A_1205 : i32
        %sign3A_1207 = arith.extui %sign3A_1206 : i1 to i32
        %sign3A_1208 = arith.constant 0 : i32
        %sign3A_1209 = arith.cmpi slt, %add3A_1202, %sign3A_1208 : i32
        %sign3A_1210 = arith.extui %sign3A_1209 : i1 to i32
        %sign3A_1211 = arith.subi %sign3A_1207, %sign3A_1210 : i32
        %sign3A_1212 = arith.constant 0 : i32
        %sign3A_1213 = arith.cmpi sgt, %jit3A_1203, %sign3A_1212 : i32
        %sign3A_1214 = arith.extui %sign3A_1213 : i1 to i32
        %sign3A_1215 = arith.constant 0 : i32
        %sign3A_1216 = arith.cmpi slt, %jit3A_1203, %sign3A_1215 : i32
        %sign3A_1217 = arith.extui %sign3A_1216 : i1 to i32
        %sign3A_1218 = arith.subi %sign3A_1214, %sign3A_1217 : i32
        %ne3A_1219 = arith.cmpi ne, %sign3A_1211, %sign3A_1218 : i32
        %rem3A_1220 = arith.remsi %add3A_1202, %jit3A_1203 : i32
        %ne3A_1221 = arith.constant 0 : i32
        %ne3A_1222 = arith.cmpi ne, %rem3A_1220, %ne3A_1221 : i32
        %and3A_1223 = arith.andi %ne3A_1219, %ne3A_1222 : i1
        %sub3A_1224 = arith.constant 1 : i32
        %sub3A_1225 = arith.subi %div3A_1204, %sub3A_1224 : i32
        %select_n3A_1226 = arith.select %and3A_1223, %sub3A_1225, %div3A_1204 : i32
        %mul3A_1227 = arith.constant 8 : i32
        %mul3A_1228 = arith.muli %select_n3A_1226, %mul3A_1227 : i32
        %jit3A_1229 = arith.constant 4 : i32
        %eq3A_1230 = arith.constant 0 : i32
        %eq3A_1231 = arith.cmpi eq, %jit3A_1229, %eq3A_1230 : i32
        %jit3A_1232 = arith.constant 1 : i32
        %select_n3A_1233 = arith.select %eq3A_1231, %jit3A_1232, %jit3A_1229 : i32
        %rem3A_1234 = arith.remsi %add3A_1202, %select_n3A_1233 : i32
        %ne3A_1235 = arith.constant 0 : i32
        %ne3A_1236 = arith.cmpi ne, %rem3A_1234, %ne3A_1235 : i32
        %lt3A_1237 = arith.constant 0 : i32
        %lt3A_1238 = arith.cmpi slt, %rem3A_1234, %lt3A_1237 : i32
        %lt3A_1239 = arith.constant 0 : i32
        %lt3A_1240 = arith.cmpi slt, %select_n3A_1233, %lt3A_1239 : i32
        %ne3A_1241 = arith.xori %lt3A_1238, %lt3A_1240 : i1
        %and3A_1242 = arith.andi %ne3A_1241, %ne3A_1236 : i1
        %add3A_1243 = arith.addi %rem3A_1234, %select_n3A_1233 : i32
        %select_n3A_1244 = arith.select %and3A_1242, %add3A_1243, %rem3A_1234 : i32
        %mul3A_1245 = arith.constant 1024 : i32
        %mul3A_1246 = arith.muli %select_n3A_1244, %mul3A_1245 : i32
        %dma_start3A_1247 = tpu.memref_slice %arg3[%mul3A_1228, %mul3A_1246] : memref<4096x4096xi32, #tpu.memory_space<hbm>> -> memref<8x1024xi32, #tpu.memory_space<hbm>>
        %dma_start3A_1248 = tpu.memref_slice %arg3[%mul3A_1228, %mul3A_1246] : memref<4096x4096xi32, #tpu.memory_space<hbm>> -> memref<8x1024xi32, #tpu.memory_space<hbm>>
        tpu.enqueue_dma source(%dma_start3A_1248 : memref<8x1024xi32, #tpu.memory_space<hbm>>) target(%arg10 : memref<8x1024xi32, #tpu.memory_space<vmem>>) target_semaphore(%arg22 : memref<!tpu.dma_semaphore, #tpu.memory_space<semaphore_mem>>)
        %jit3A_1249 = arith.constant 4 : i32
        %div3A_1250 = arith.divsi %add3A_1202, %jit3A_1249 : i32
        %sign3A_1251 = arith.constant 0 : i32
        %sign3A_1252 = arith.cmpi sgt, %add3A_1202, %sign3A_1251 : i32
        %sign3A_1253 = arith.extui %sign3A_1252 : i1 to i32
        %sign3A_1254 = arith.constant 0 : i32
        %sign3A_1255 = arith.cmpi slt, %add3A_1202, %sign3A_1254 : i32
        %sign3A_1256 = arith.extui %sign3A_1255 : i1 to i32
        %sign3A_1257 = arith.subi %sign3A_1253, %sign3A_1256 : i32
        %sign3A_1258 = arith.constant 0 : i32
        %sign3A_1259 = arith.cmpi sgt, %jit3A_1249, %sign3A_1258 : i32
        %sign3A_1260 = arith.extui %sign3A_1259 : i1 to i32
        %sign3A_1261 = arith.constant 0 : i32
        %sign3A_1262 = arith.cmpi slt, %jit3A_1249, %sign3A_1261 : i32
        %sign3A_1263 = arith.extui %sign3A_1262 : i1 to i32
        %sign3A_1264 = arith.subi %sign3A_1260, %sign3A_1263 : i32
        %ne3A_1265 = arith.cmpi ne, %sign3A_1257, %sign3A_1264 : i32
        %rem3A_1266 = arith.remsi %add3A_1202, %jit3A_1249 : i32
        %ne3A_1267 = arith.constant 0 : i32
        %ne3A_1268 = arith.cmpi ne, %rem3A_1266, %ne3A_1267 : i32
        %and3A_1269 = arith.andi %ne3A_1265, %ne3A_1268 : i1
        %sub3A_1270 = arith.constant 1 : i32
        %sub3A_1271 = arith.subi %div3A_1250, %sub3A_1270 : i32
        %select_n3A_1272 = arith.select %and3A_1269, %sub3A_1271, %div3A_1250 : i32
        %mul3A_1273 = arith.constant 8 : i32
        %mul3A_1274 = arith.muli %select_n3A_1272, %mul3A_1273 : i32
        %jit3A_1275 = arith.constant 4 : i32
        %eq3A_1276 = arith.constant 0 : i32
        %eq3A_1277 = arith.cmpi eq, %jit3A_1275, %eq3A_1276 : i32
        %jit3A_1278 = arith.constant 1 : i32
        %select_n3A_1279 = arith.select %eq3A_1277, %jit3A_1278, %jit3A_1275 : i32
        %rem3A_1280 = arith.remsi %add3A_1202, %select_n3A_1279 : i32
        %ne3A_1281 = arith.constant 0 : i32
        %ne3A_1282 = arith.cmpi ne, %rem3A_1280, %ne3A_1281 : i32
        %lt3A_1283 = arith.constant 0 : i32
        %lt3A_1284 = arith.cmpi slt, %rem3A_1280, %lt3A_1283 : i32
        %lt3A_1285 = arith.constant 0 : i32
        %lt3A_1286 = arith.cmpi slt, %select_n3A_1279, %lt3A_1285 : i32
        %ne3A_1287 = arith.xori %lt3A_1284, %lt3A_1286 : i1
        %and3A_1288 = arith.andi %ne3A_1287, %ne3A_1282 : i1
        %add3A_1289 = arith.addi %rem3A_1280, %select_n3A_1279 : i32
        %select_n3A_1290 = arith.select %and3A_1288, %add3A_1289, %rem3A_1280 : i32
        %mul3A_1291 = arith.constant 1024 : i32
        %mul3A_1292 = arith.muli %select_n3A_1290, %mul3A_1291 : i32
        %dma_start3A_1293 = tpu.memref_slice %arg4[%mul3A_1274, %mul3A_1292] : memref<4096x4096xf32, #tpu.memory_space<hbm>> -> memref<8x1024xf32, #tpu.memory_space<hbm>>
        %dma_start3A_1294 = tpu.memref_slice %arg4[%mul3A_1274, %mul3A_1292] : memref<4096x4096xf32, #tpu.memory_space<hbm>> -> memref<8x1024xf32, #tpu.memory_space<hbm>>
        tpu.enqueue_dma source(%dma_start3A_1294 : memref<8x1024xf32, #tpu.memory_space<hbm>>) target(%arg14 : memref<8x1024xf32, #tpu.memory_space<vmem>>) target_semaphore(%arg22 : memref<!tpu.dma_semaphore, #tpu.memory_space<semaphore_mem>>)
      } else {
      }
    }
    %scan3A_372 = arith.constant 16 : i32
    %add3A_373 = arith.constant 64 : i32
    %add3A_374 = arith.addi %mul3A_2, %add3A_373 : i32
    %sub3A_375 = arith.constant 4 : i32
    %sub3A_376 = arith.subi %add3A_374, %sub3A_375 : i32
    %add3A_377 = arith.constant 0 : i32
    %add3A_378 = arith.addi %sub3A_376, %add3A_377 : i32
    %jit3A_379 = arith.constant 4 : i32
    %div3A_380 = arith.divsi %add3A_378, %jit3A_379 : i32
    %sign3A_381 = arith.constant 0 : i32
    %sign3A_382 = arith.cmpi sgt, %add3A_378, %sign3A_381 : i32
    %sign3A_383 = arith.extui %sign3A_382 : i1 to i32
    %sign3A_384 = arith.constant 0 : i32
    %sign3A_385 = arith.cmpi slt, %add3A_378, %sign3A_384 : i32
    %sign3A_386 = arith.extui %sign3A_385 : i1 to i32
    %sign3A_387 = arith.subi %sign3A_383, %sign3A_386 : i32
    %sign3A_388 = arith.constant 0 : i32
    %sign3A_389 = arith.cmpi sgt, %jit3A_379, %sign3A_388 : i32
    %sign3A_390 = arith.extui %sign3A_389 : i1 to i32
    %sign3A_391 = arith.constant 0 : i32
    %sign3A_392 = arith.cmpi slt, %jit3A_379, %sign3A_391 : i32
    %sign3A_393 = arith.extui %sign3A_392 : i1 to i32
    %sign3A_394 = arith.subi %sign3A_390, %sign3A_393 : i32
    %ne3A_395 = arith.cmpi ne, %sign3A_387, %sign3A_394 : i32
    %rem3A_396 = arith.remsi %add3A_378, %jit3A_379 : i32
    %ne3A_397 = arith.constant 0 : i32
    %ne3A_398 = arith.cmpi ne, %rem3A_396, %ne3A_397 : i32
    %and3A_399 = arith.andi %ne3A_395, %ne3A_398 : i1
    %sub3A_400 = arith.constant 1 : i32
    %sub3A_401 = arith.subi %div3A_380, %sub3A_400 : i32
    %select_n3A_402 = arith.select %and3A_399, %sub3A_401, %div3A_380 : i32
    %mul3A_403 = arith.constant 8 : i32
    %mul3A_404 = arith.muli %select_n3A_402, %mul3A_403 : i32
    %jit3A_405 = arith.constant 4 : i32
    %eq3A_406 = arith.constant 0 : i32
    %eq3A_407 = arith.cmpi eq, %jit3A_405, %eq3A_406 : i32
    %jit3A_408 = arith.constant 1 : i32
    %select_n3A_409 = arith.select %eq3A_407, %jit3A_408, %jit3A_405 : i32
    %rem3A_410 = arith.remsi %add3A_378, %select_n3A_409 : i32
    %ne3A_411 = arith.constant 0 : i32
    %ne3A_412 = arith.cmpi ne, %rem3A_410, %ne3A_411 : i32
    %lt3A_413 = arith.constant 0 : i32
    %lt3A_414 = arith.cmpi slt, %rem3A_410, %lt3A_413 : i32
    %lt3A_415 = arith.constant 0 : i32
    %lt3A_416 = arith.cmpi slt, %select_n3A_409, %lt3A_415 : i32
    %ne3A_417 = arith.xori %lt3A_414, %lt3A_416 : i1
    %and3A_418 = arith.andi %ne3A_417, %ne3A_412 : i1
    %add3A_419 = arith.addi %rem3A_410, %select_n3A_409 : i32
    %select_n3A_420 = arith.select %and3A_418, %add3A_419, %rem3A_410 : i32
    %mul3A_421 = arith.constant 1024 : i32
    %mul3A_422 = arith.muli %select_n3A_420, %mul3A_421 : i32
    %dma_wait3A = tpu.memref_slice %arg5[%mul3A_404, %mul3A_422] : memref<4096x4096xf32, #tpu.memory_space<hbm>> -> memref<8x1024xf32, #tpu.memory_space<hbm>>
    %dma_wait3A_423 = tpu.memref_slice %arg5[%mul3A_404, %mul3A_422] : memref<4096x4096xf32, #tpu.memory_space<hbm>> -> memref<8x1024xf32, #tpu.memory_space<hbm>>
    tpu.wait_dma2 semaphore(%arg23 : memref<!tpu.dma_semaphore, #tpu.memory_space<semaphore_mem>>) src(%arg15 : memref<8x1024xf32, #tpu.memory_space<vmem>>) dst(%dma_wait3A_423 : memref<8x1024xf32, #tpu.memory_space<hbm>>)
    %add3A_424 = arith.constant 64 : i32
    %add3A_425 = arith.addi %mul3A_2, %add3A_424 : i32
    %sub3A_426 = arith.constant 4 : i32
    %sub3A_427 = arith.subi %add3A_425, %sub3A_426 : i32
    %add3A_428 = arith.constant 1 : i32
    %add3A_429 = arith.addi %sub3A_427, %add3A_428 : i32
    %jit3A_430 = arith.constant 4 : i32
    %div3A_431 = arith.divsi %add3A_429, %jit3A_430 : i32
    %sign3A_432 = arith.constant 0 : i32
    %sign3A_433 = arith.cmpi sgt, %add3A_429, %sign3A_432 : i32
    %sign3A_434 = arith.extui %sign3A_433 : i1 to i32
    %sign3A_435 = arith.constant 0 : i32
    %sign3A_436 = arith.cmpi slt, %add3A_429, %sign3A_435 : i32
    %sign3A_437 = arith.extui %sign3A_436 : i1 to i32
    %sign3A_438 = arith.subi %sign3A_434, %sign3A_437 : i32
    %sign3A_439 = arith.constant 0 : i32
    %sign3A_440 = arith.cmpi sgt, %jit3A_430, %sign3A_439 : i32
    %sign3A_441 = arith.extui %sign3A_440 : i1 to i32
    %sign3A_442 = arith.constant 0 : i32
    %sign3A_443 = arith.cmpi slt, %jit3A_430, %sign3A_442 : i32
    %sign3A_444 = arith.extui %sign3A_443 : i1 to i32
    %sign3A_445 = arith.subi %sign3A_441, %sign3A_444 : i32
    %ne3A_446 = arith.cmpi ne, %sign3A_438, %sign3A_445 : i32
    %rem3A_447 = arith.remsi %add3A_429, %jit3A_430 : i32
    %ne3A_448 = arith.constant 0 : i32
    %ne3A_449 = arith.cmpi ne, %rem3A_447, %ne3A_448 : i32
    %and3A_450 = arith.andi %ne3A_446, %ne3A_449 : i1
    %sub3A_451 = arith.constant 1 : i32
    %sub3A_452 = arith.subi %div3A_431, %sub3A_451 : i32
    %select_n3A_453 = arith.select %and3A_450, %sub3A_452, %div3A_431 : i32
    %mul3A_454 = arith.constant 8 : i32
    %mul3A_455 = arith.muli %select_n3A_453, %mul3A_454 : i32
    %jit3A_456 = arith.constant 4 : i32
    %eq3A_457 = arith.constant 0 : i32
    %eq3A_458 = arith.cmpi eq, %jit3A_456, %eq3A_457 : i32
    %jit3A_459 = arith.constant 1 : i32
    %select_n3A_460 = arith.select %eq3A_458, %jit3A_459, %jit3A_456 : i32
    %rem3A_461 = arith.remsi %add3A_429, %select_n3A_460 : i32
    %ne3A_462 = arith.constant 0 : i32
    %ne3A_463 = arith.cmpi ne, %rem3A_461, %ne3A_462 : i32
    %lt3A_464 = arith.constant 0 : i32
    %lt3A_465 = arith.cmpi slt, %rem3A_461, %lt3A_464 : i32
    %lt3A_466 = arith.constant 0 : i32
    %lt3A_467 = arith.cmpi slt, %select_n3A_460, %lt3A_466 : i32
    %ne3A_468 = arith.xori %lt3A_465, %lt3A_467 : i1
    %and3A_469 = arith.andi %ne3A_468, %ne3A_463 : i1
    %add3A_470 = arith.addi %rem3A_461, %select_n3A_460 : i32
    %select_n3A_471 = arith.select %and3A_469, %add3A_470, %rem3A_461 : i32
    %mul3A_472 = arith.constant 1024 : i32
    %mul3A_473 = arith.muli %select_n3A_471, %mul3A_472 : i32
    %dma_wait3A_474 = tpu.memref_slice %arg5[%mul3A_455, %mul3A_473] : memref<4096x4096xf32, #tpu.memory_space<hbm>> -> memref<8x1024xf32, #tpu.memory_space<hbm>>
    %dma_wait3A_475 = tpu.memref_slice %arg5[%mul3A_455, %mul3A_473] : memref<4096x4096xf32, #tpu.memory_space<hbm>> -> memref<8x1024xf32, #tpu.memory_space<hbm>>
    tpu.wait_dma2 semaphore(%arg24 : memref<!tpu.dma_semaphore, #tpu.memory_space<semaphore_mem>>) src(%arg16 : memref<8x1024xf32, #tpu.memory_space<vmem>>) dst(%dma_wait3A_475 : memref<8x1024xf32, #tpu.memory_space<hbm>>)
    %add3A_476 = arith.constant 64 : i32
    %add3A_477 = arith.addi %mul3A_2, %add3A_476 : i32
    %sub3A_478 = arith.constant 4 : i32
    %sub3A_479 = arith.subi %add3A_477, %sub3A_478 : i32
    %add3A_480 = arith.constant 2 : i32
    %add3A_481 = arith.addi %sub3A_479, %add3A_480 : i32
    %jit3A_482 = arith.constant 4 : i32
    %div3A_483 = arith.divsi %add3A_481, %jit3A_482 : i32
    %sign3A_484 = arith.constant 0 : i32
    %sign3A_485 = arith.cmpi sgt, %add3A_481, %sign3A_484 : i32
    %sign3A_486 = arith.extui %sign3A_485 : i1 to i32
    %sign3A_487 = arith.constant 0 : i32
    %sign3A_488 = arith.cmpi slt, %add3A_481, %sign3A_487 : i32
    %sign3A_489 = arith.extui %sign3A_488 : i1 to i32
    %sign3A_490 = arith.subi %sign3A_486, %sign3A_489 : i32
    %sign3A_491 = arith.constant 0 : i32
    %sign3A_492 = arith.cmpi sgt, %jit3A_482, %sign3A_491 : i32
    %sign3A_493 = arith.extui %sign3A_492 : i1 to i32
    %sign3A_494 = arith.constant 0 : i32
    %sign3A_495 = arith.cmpi slt, %jit3A_482, %sign3A_494 : i32
    %sign3A_496 = arith.extui %sign3A_495 : i1 to i32
    %sign3A_497 = arith.subi %sign3A_493, %sign3A_496 : i32
    %ne3A_498 = arith.cmpi ne, %sign3A_490, %sign3A_497 : i32
    %rem3A_499 = arith.remsi %add3A_481, %jit3A_482 : i32
    %ne3A_500 = arith.constant 0 : i32
    %ne3A_501 = arith.cmpi ne, %rem3A_499, %ne3A_500 : i32
    %and3A_502 = arith.andi %ne3A_498, %ne3A_501 : i1
    %sub3A_503 = arith.constant 1 : i32
    %sub3A_504 = arith.subi %div3A_483, %sub3A_503 : i32
    %select_n3A_505 = arith.select %and3A_502, %sub3A_504, %div3A_483 : i32
    %mul3A_506 = arith.constant 8 : i32
    %mul3A_507 = arith.muli %select_n3A_505, %mul3A_506 : i32
    %jit3A_508 = arith.constant 4 : i32
    %eq3A_509 = arith.constant 0 : i32
    %eq3A_510 = arith.cmpi eq, %jit3A_508, %eq3A_509 : i32
    %jit3A_511 = arith.constant 1 : i32
    %select_n3A_512 = arith.select %eq3A_510, %jit3A_511, %jit3A_508 : i32
    %rem3A_513 = arith.remsi %add3A_481, %select_n3A_512 : i32
    %ne3A_514 = arith.constant 0 : i32
    %ne3A_515 = arith.cmpi ne, %rem3A_513, %ne3A_514 : i32
    %lt3A_516 = arith.constant 0 : i32
    %lt3A_517 = arith.cmpi slt, %rem3A_513, %lt3A_516 : i32
    %lt3A_518 = arith.constant 0 : i32
    %lt3A_519 = arith.cmpi slt, %select_n3A_512, %lt3A_518 : i32
    %ne3A_520 = arith.xori %lt3A_517, %lt3A_519 : i1
    %and3A_521 = arith.andi %ne3A_520, %ne3A_515 : i1
    %add3A_522 = arith.addi %rem3A_513, %select_n3A_512 : i32
    %select_n3A_523 = arith.select %and3A_521, %add3A_522, %rem3A_513 : i32
    %mul3A_524 = arith.constant 1024 : i32
    %mul3A_525 = arith.muli %select_n3A_523, %mul3A_524 : i32
    %dma_wait3A_526 = tpu.memref_slice %arg5[%mul3A_507, %mul3A_525] : memref<4096x4096xf32, #tpu.memory_space<hbm>> -> memref<8x1024xf32, #tpu.memory_space<hbm>>
    %dma_wait3A_527 = tpu.memref_slice %arg5[%mul3A_507, %mul3A_525] : memref<4096x4096xf32, #tpu.memory_space<hbm>> -> memref<8x1024xf32, #tpu.memory_space<hbm>>
    tpu.wait_dma2 semaphore(%arg25 : memref<!tpu.dma_semaphore, #tpu.memory_space<semaphore_mem>>) src(%arg17 : memref<8x1024xf32, #tpu.memory_space<vmem>>) dst(%dma_wait3A_527 : memref<8x1024xf32, #tpu.memory_space<hbm>>)
    %add3A_528 = arith.constant 64 : i32
    %add3A_529 = arith.addi %mul3A_2, %add3A_528 : i32
    %sub3A_530 = arith.constant 4 : i32
    %sub3A_531 = arith.subi %add3A_529, %sub3A_530 : i32
    %add3A_532 = arith.constant 3 : i32
    %add3A_533 = arith.addi %sub3A_531, %add3A_532 : i32
    %jit3A_534 = arith.constant 4 : i32
    %div3A_535 = arith.divsi %add3A_533, %jit3A_534 : i32
    %sign3A_536 = arith.constant 0 : i32
    %sign3A_537 = arith.cmpi sgt, %add3A_533, %sign3A_536 : i32
    %sign3A_538 = arith.extui %sign3A_537 : i1 to i32
    %sign3A_539 = arith.constant 0 : i32
    %sign3A_540 = arith.cmpi slt, %add3A_533, %sign3A_539 : i32
    %sign3A_541 = arith.extui %sign3A_540 : i1 to i32
    %sign3A_542 = arith.subi %sign3A_538, %sign3A_541 : i32
    %sign3A_543 = arith.constant 0 : i32
    %sign3A_544 = arith.cmpi sgt, %jit3A_534, %sign3A_543 : i32
    %sign3A_545 = arith.extui %sign3A_544 : i1 to i32
    %sign3A_546 = arith.constant 0 : i32
    %sign3A_547 = arith.cmpi slt, %jit3A_534, %sign3A_546 : i32
    %sign3A_548 = arith.extui %sign3A_547 : i1 to i32
    %sign3A_549 = arith.subi %sign3A_545, %sign3A_548 : i32
    %ne3A_550 = arith.cmpi ne, %sign3A_542, %sign3A_549 : i32
    %rem3A_551 = arith.remsi %add3A_533, %jit3A_534 : i32
    %ne3A_552 = arith.constant 0 : i32
    %ne3A_553 = arith.cmpi ne, %rem3A_551, %ne3A_552 : i32
    %and3A_554 = arith.andi %ne3A_550, %ne3A_553 : i1
    %sub3A_555 = arith.constant 1 : i32
    %sub3A_556 = arith.subi %div3A_535, %sub3A_555 : i32
    %select_n3A_557 = arith.select %and3A_554, %sub3A_556, %div3A_535 : i32
    %mul3A_558 = arith.constant 8 : i32
    %mul3A_559 = arith.muli %select_n3A_557, %mul3A_558 : i32
    %jit3A_560 = arith.constant 4 : i32
    %eq3A_561 = arith.constant 0 : i32
    %eq3A_562 = arith.cmpi eq, %jit3A_560, %eq3A_561 : i32
    %jit3A_563 = arith.constant 1 : i32
    %select_n3A_564 = arith.select %eq3A_562, %jit3A_563, %jit3A_560 : i32
    %rem3A_565 = arith.remsi %add3A_533, %select_n3A_564 : i32
    %ne3A_566 = arith.constant 0 : i32
    %ne3A_567 = arith.cmpi ne, %rem3A_565, %ne3A_566 : i32
    %lt3A_568 = arith.constant 0 : i32
    %lt3A_569 = arith.cmpi slt, %rem3A_565, %lt3A_568 : i32
    %lt3A_570 = arith.constant 0 : i32
    %lt3A_571 = arith.cmpi slt, %select_n3A_564, %lt3A_570 : i32
    %ne3A_572 = arith.xori %lt3A_569, %lt3A_571 : i1
    %and3A_573 = arith.andi %ne3A_572, %ne3A_567 : i1
    %add3A_574 = arith.addi %rem3A_565, %select_n3A_564 : i32
    %select_n3A_575 = arith.select %and3A_573, %add3A_574, %rem3A_565 : i32
    %mul3A_576 = arith.constant 1024 : i32
    %mul3A_577 = arith.muli %select_n3A_575, %mul3A_576 : i32
    %dma_wait3A_578 = tpu.memref_slice %arg5[%mul3A_559, %mul3A_577] : memref<4096x4096xf32, #tpu.memory_space<hbm>> -> memref<8x1024xf32, #tpu.memory_space<hbm>>
    %dma_wait3A_579 = tpu.memref_slice %arg5[%mul3A_559, %mul3A_577] : memref<4096x4096xf32, #tpu.memory_space<hbm>> -> memref<8x1024xf32, #tpu.memory_space<hbm>>
    tpu.wait_dma2 semaphore(%arg26 : memref<!tpu.dma_semaphore, #tpu.memory_space<semaphore_mem>>) src(%arg18 : memref<8x1024xf32, #tpu.memory_space<vmem>>) dst(%dma_wait3A_579 : memref<8x1024xf32, #tpu.memory_space<hbm>>)
    return
  }
}

</mosaic_0001>

<sc_bundles>
// kernel: kernel.3.cloned.1.call-start
scs
__scs_entry_jumppad:
0x0: {  	(pc) =	sbr.rel $0x88, $3  }
0x1: {  	(tag) =	ssettag $0x0;
	lr =	simm.s32 $0x1  }
0x2: {  	[smem:$0x3F9E] =	sst lr;
	_ =	strace $0xD0000000  }
0x3: {  	_ = 	snop  }
0x4: {  	_ = 	snop  }
0x5: {  	_ = 	snop  }
0x6: {  	_ = 	snop  }
0x7: {  	_ = 	snop  }
__scs_overlays_trampoline_lowered:
0x8: {  	[smem:$0x3FAD] =	sst s0  }
0x9: {  	[smem:$0x3FAE] =	sst s1  }
0xa: {  	[smem:$0x3FAF] =	sst s2  }
0xb: {  	[smem:$0x3FB0] =	sst s3  }
0xc: {  	[smem:$0x3FB1] =	sst s4  }
0xd: {  	[smem:$0x3FB2] =	sst s5  }
0xe: {  	[smem:$0x3FB3] =	sst s6  }
0xf: {  	[smem:$0x3FB4] =	sst s7  }
0x10: {  	[smem:$0x3FB5] =	sst s8  }
0x11: {  	[smem:$0x3FB6] =	sst s9;
	s0 =	simm.s32 @!p0 $0x0  }
0x12: {  	s1 =	sld [smem:$0x3F9C];
	s0 =	simm.s32 @p0 $0x1  }
0x13: {  	[smem:$0x3FB7] =	sst s0;
	s0 =	simm.s32 @!p1 $0x0  }
0x14: {  	s2 =	sld [smem:$0x3F9B];
	s0 =	simm.s32 @p1 $0x1  }
0x15: {  	[smem:$0x3FB8] =	sst s0;
	s0 =	simm.s32 @!p2 $0x0  }
0x16: {  	s3 =	sld [smem:$0x3FDB];
	s0 =	simm.s32 @p2 $0x1  }
0x17: {  	s4 =	simm.s32 $0x1BF5;
	[smem:$0x3FBA] =	sst s0  }
0x18: {  	s0 =	sld [smem:$0x3F9D];
	_ =	swait.ge [sflag:s4], $0x0  }
0x19: {  	s7 =	sld [smem:$0x3F9E]  }
0x1a: {  	s8 =	sadd.s32 $0xFFFFE003, lr  }
0x1b: {  	s9 =	sadd.s32 $0xFFFFFEF7, lr;
	s5 =	simm.s32 $0xFFFFFFFF;
	p2 =	slt.u32 s8, $0xFFFFF086  }
0x1c: {  	p1 =	slt.u32 s9, $0xF7A;
	s5 =	simm.s32 @!p2 $0x0  }
0x1d: {  	s5 =	simm.s32 @p1 $0x1;
	p0 =	seq.s32 s7, s2  }
0x1e: {  	s7 =	smul.u32 @!p0 $0xF7A, s2;
	p2 =	seq.s32 @!p0 s5, $0x0  }
0x1f: {  	s9 =	smul.u32 $0xF7A, s1;
	s8 =	simm.s32 @!p0 $0x1BF5;
	p2 =	por !p2, p0  }
0x20: {  	[sflag:s8] =	ssyncset.s32 @!p0 $0xFFFFF086;
	s6 =	sadd.s32 @!p0 s3, s7;
	s7 =	simm.s32 @!p0 $0x108  }
0x21: {  	s3 =	sadd.s32 s3, s9;
	s6 =	sadd.s32 @!p0 $0x88, s6;
	s7 =	simm.s32 @p2 $0x1082  }
0x22: {  	[simem:s7], [sflag:s8] =	dma.local @!p0 [hbm:s6], $0xF7A  }
0x23: {  	s9 =	sor.u32 $0xD0000000, s2;
	s6 =	simm.s32 $0x108;
	_ =	swait.ge @!p0 [sflag:s8], $0x0  }
0x24: {  	s3 =	sadd.s32 $0x88, s3;
	s6 =	simm.s32 @!p1 $0x1082;
	[sflag:s4] =	ssyncset.s32 $0xFFFFF086  }
0x25: {  	[simem:s6], [sflag:s4] =	dma.local [hbm:s3], $0xF7A  }
0x26: {  	[smem:$0x3F9E] =	sst s1;
	(tag) =	ssettag s2;
	_ =	strace s9  }
0x27: {  	s1 =	sld [smem:$0x3FAE]  }
0x28: {  	s2 =	sld [smem:$0x3FAF]  }
0x29: {  	s4 =	sld [smem:$0x3FB1]  }
0x2a: {  	p0 =	seq.s32 s5, $0x0;
	s5 =	sld [smem:$0x3FB2]  }
0x2b: {  	s6 =	sld [smem:$0x3FB3]  }
0x2c: {  	s7 =	sld [smem:$0x3FB4]  }
0x2d: {  	s3 =	simm.s32 $0x108;
	s8 =	sld [smem:$0x3FB5]  }
0x2e: {  	s3 =	simm.s32 @!p0 $0x1082;
	s9 =	sld [smem:$0x3FB6]  }
0x2f: {  	lr =	sadd.s32 s0, s3;
	s0 =	sld [smem:$0x3FAD]  }
0x30: {  	s3 =	sld [smem:$0x3FB0]  }
0x31: {  	[smem:$0x3FB9] =	sst s10  }
0x32: {  	s10 =	sld [smem:$0x3FB7];
	_ =	sdelay $0x3  }
0x33: {  	p0 =	seq.s32 s10, $0x1;
	s10 =	sld [smem:$0x3FB9];
	_ =	sdelay $0x3  }
0x34: {  	[smem:$0x3FB9] =	sst s10  }
0x35: {  	s10 =	sld [smem:$0x3FB8];
	_ =	sdelay $0x3  }
0x36: {  	p1 =	seq.s32 s10, $0x1;
	s10 =	sld [smem:$0x3FB9];
	_ =	sdelay $0x3  }
0x37: {  	[smem:$0x3FB9] =	sst s10  }
0x38: {  	s10 =	sld [smem:$0x3FBA]  }
0x39: {  	_ = 	snop;
	(pc) =	sbr.ind lr, $3  }
0x3a: {  	_ = 	snop  }
0x3b: {  	_ = 	snop  }
0x3c: {  	p2 =	seq.s32 s10, $0x1;
	s10 =	sld [smem:$0x3FB9]  }
0x3d: {  	_ =	shalt  }
0x3e: {  	_ =	shalt  }
0x3f: {  	_ =	shalt  }
0x40: {  	_ =	shalt  }
0x41: {  	_ =	shalt  }
0x42: {  	_ =	shalt  }
0x43: {  	_ =	shalt  }
0x44: {  	_ =	shalt  }
0x45: {  	_ =	shalt  }
0x46: {  	_ =	shalt  }
0x47: {  	_ =	shalt  }
0x48: {  	_ =	shalt  }
0x49: {  	_ =	shalt  }
0x4a: {  	_ =	shalt  }
0x4b: {  	_ =	shalt  }
0x4c: {  	_ =	shalt  }
0x4d: {  	_ =	shalt  }
0x4e: {  	_ =	shalt  }
0x4f: {  	_ =	shalt  }
0x50: {  	_ =	shalt  }
0x51: {  	_ =	shalt  }
0x52: {  	_ =	shalt  }
0x53: {  	_ =	shalt  }
0x54: {  	_ =	shalt  }
0x55: {  	_ =	shalt  }
0x56: {  	_ =	shalt  }
0x57: {  	_ =	shalt  }
0x58: {  	_ =	shalt  }
0x59: {  	_ =	shalt  }
0x5a: {  	_ =	shalt  }
0x5b: {  	_ =	shalt  }
0x5c: {  	_ =	shalt  }
0x5d: {  	_ =	shalt  }
0x5e: {  	_ =	shalt  }
0x5f: {  	_ =	shalt  }
0x60: {  	_ =	shalt  }
0x61: {  	_ =	shalt  }
0x62: {  	_ =	shalt  }
0x63: {  	_ =	shalt  }
0x64: {  	_ =	shalt  }
0x65: {  	_ =	shalt  }
0x66: {  	_ =	shalt  }
0x67: {  	_ =	shalt  }
0x68: {  	_ =	shalt  }
0x69: {  	_ =	shalt  }
0x6a: {  	_ =	shalt  }
0x6b: {  	_ =	shalt  }
0x6c: {  	_ =	shalt  }
0x6d: {  	_ =	shalt  }
0x6e: {  	_ =	shalt  }
0x6f: {  	_ =	shalt  }
0x70: {  	_ =	shalt  }
0x71: {  	_ =	shalt  }
0x72: {  	_ =	shalt  }
0x73: {  	_ =	shalt  }
0x74: {  	_ =	shalt  }
0x75: {  	_ =	shalt  }
0x76: {  	_ =	shalt  }
0x77: {  	_ =	shalt  }
0x78: {  	_ =	shalt  }
0x79: {  	_ =	shalt  }
0x7a: {  	_ =	shalt  }
0x7b: {  	_ =	shalt  }
0x7c: {  	_ =	shalt  }
0x7d: {  	_ =	shalt  }
0x7e: {  	_ =	shalt  }
0x7f: {  	_ =	shalt  }
0x80: {  	_ =	shalt  }
0x81: {  	_ =	shalt  }
0x82: {  	_ =	shalt  }
0x83: {  	_ =	shalt  }
0x84: {  	_ =	shalt  }
0x85: {  	_ =	shalt  }
0x86: {  	_ =	shalt  }
0x87: {  	_ =	shalt  }
.Lfunc_end0:
.L_simem_size_0:
called_computation_lowered:
.L_overlay_start_0:
0x88: {  	s2 =	sld [smem:$0x3FD9]  }
0x89: {  	s3 =	sld [smem:$0x3FFE];
	_ =	sdelay $0x1  }
0x8a: {  	s1 =	srdreg.scid  }
0x8b: {  	s0 =	sand.u32 $0x1, s1  }
0x8c: {  	s18 =	sshll.u32 s0, $0xA;
	s2 =	sadd.s32 s3, s2  }
0x8d: {  	s2 =	sadd.s32 s2, s18  }
0x8e: {  	[smem:$0x3FC5] =	sst s2  }
0x8f: {  	_ = 	snop  }
0x90: {  	s2 =	sld [smem:$0x3FC9]  }
0x91: {  	s19 =	sld [smem:$0x3FC8]  }
0x92: {  	s4 =	sld [smem:$0x3FC7]  }
0x93: {  	s5 =	sld [smem:$0x3FD0];
	(tm) =	ssettm $0x1  }
0x94: {  	s6 =	sld [smem:$0x3FFB];
	_ =	sdelay $0x3  }
0x95: {  	_ =	strace s6  }
0x96: {  	s6 =	sld [smem:$0x3FFC];
	_ =	sdelay $0x3  }
0x97: {  	_ =	strace s6  }
0x98: {  	s6 =	sld [smem:$0x3FFD];
	_ =	sdelay $0x3  }
0x99: {  	_ =	strace s6  }
0x9a: {  	_ =	strace $0x8FFFFFFF  }
0x9b: {  	s20 =	sld [smem:$0x3FDB];
	_ =	sdelay $0x1  }
0x9c: {  	s7 =	simm.s32 $_scs_section_size  }
0x9d: {  	s8 =	simm.s32 $_size__tile_overlayer_lowered;
	s9 =	simm.s32 $_tile_overlayer_lowered  }
0x9e: {  	s23 =	simm.s32 $0x1BFF;
	s22 =	sshll.u32 s9, $0x1;
	s6 =	sadd.s32 s7, s20  }
0x9f: {  	s10 =	simm.s32 $0x0;
	s21 =	sshll.u32 s8, $0x1;
	s8 =	sadd.s32 s22, s6  }
0xa0: {  	[timem:s10], [sflag:s23] =	dma.local [hbm:s8], s21  }
0xa1: {  	_ =	swait.ge [sflag:s23], s21  }
0xa2: {  	s7 =	ssub.s32 $0x0, s21;
	[sflag:s23] =	ssyncset.done $0x0  }
0xa3: {  	[sflag:s23] =	ssyncadd.s32 s7;
	_ =	sdelay $0x1  }
0xa4: {  	s24 =	simm.s32 $0x1B8B  }
0xa5: {  	_ =	swait.ge [sflag:s24], $0x1  }
0xa6: {  	[sflag:s24] =	ssyncset.done $0x0  }
0xa7: {  	s25 =	simm.s32 $0x1B8E;
	[sflag:s24] =	ssyncadd.s32 $0xFFFFFFFF  }
0xa8: {  	s26 =	simm.s32 $execute0_lowered;
	[smem:$0x3FD2] =	sst s25  }
0xa9: {  	s7 =	sshll.u32 s26, $0x1;
	_ =	strace $0x80000046;
	[dreg:$0x1] =	wrdreg $0xFFFFFFFF  }
0xaa: {  	s28 =	simm.s32 $_size_execute0_lowered;
	s6 =	sadd.s32 s6, s7;
	[dreg:$0x0] =	wrdreg $0x0  }
0xab: {  	s7 =	sshll.u32 s28, $0x1;
	[dreg:$0x2] =	wrdreg s6  }
0xac: {  	[dreg:$0x3] =	wrdreg s7  }
0xad: {  	[dreg:$0x4] =	wrdreg $0xC0  }
0xae: {  	_ =	task [dreg:s10], $0x5FFFF  }
0xaf: {  	[dreg:$0x1] =	wrdreg $0xFFFFFFFF  }
0xb0: {  	[dreg:$0x0] =	wrdreg $0x60  }
0xb1: {  	[dreg:$0x2] =	wrdreg s2  }
0xb2: {  	[dreg:$0x3] =	wrdreg s19  }
0xb3: {  	[dreg:$0x4] =	wrdreg s4  }
0xb4: {  	[dreg:$0x5] =	wrdreg s5  }
0xb5: {  	[dreg:$0x6] =	wrdreg $0x9  }
0xb6: {  	_ =	task.clear_ibuf [dreg:s10], $0x7FFFF;
	_ =	strace $0x90000046  }
0xb7: {  	s29 =	simm.s32 $0x9;
	_ =	strace $0x80000048  }
0xb8: {  	_ =	swait.ge [sflag:s29], $0x1  }
0xb9: {  	[sflag:s29] =	ssyncadd.s32 $0xFFFFFFFF  }
0xba: {  	_ =	strace $0x90000048  }
0xbb: {  	_ =	sfence  }
0xbc: {  	s30 =	sld [smem:$0x0];
	_ =	sdelay $0x2  }
0xbd: {  	s31 =	sshll.u32 s1, $0xD;
	s1 =	sshrl.u32 s1, $0x2  }
0xbe: {  	s3 =	sand.u32 $0x4000, s31;
	s1 =	sadd.s32 s1, s30  }
0xbf: {  	s0 =	sor.u32 s3, s0;
	s1 =	sshll.u32 s1, $0x11  }
0xc0: {  	s0 =	sor.u32 s1, s0  }
0xc1: {  	s0 =	sadd.s32 $0x8F2B, s0  }
0xc2: {  	[sflag:s0] =	ssyncadd.remote.s32 $0x1  }
0xc3: {  	_ =	sfence.sel $0xFFFF  }
0xc4: {  	[dreg:$0x0] =	wrdreg $0xFFFFFFFF;
	(pc) =	sbr.abs _section_cstart, $3  }
0xc5: {  	[dreg:$0x1] =	wrdreg $0xFFFFFFFF  }
0xc6: {  	_ =	task.clear_ibuf [dreg:s10], $0x2FFFF;
	_ =	strace $0x9FFFFFFF  }
0xc7: {  	(tm) =	ssettm $0x7FFFFFFF  }
tec
execute0_lowered:
.L_overlay_start_1:
0x0: {  	(tag) =	ssettag $0x1  }
0x1: {  	s2 =	rddreg [dreg:$0x1]  }
0x2: {  	s3 =	rddreg [dreg:$0x2]  }
0x3: {  	s5 =	rddreg [dreg:$0x3]  }
0x4: {  	s0 =	srdreg.scid;
	s6 =	simm.s32 $0x0;
	s4 =	stileid.u32  }
0x5: {  	s28 =	simm.s32 $0x8000;
	s29 =	simm.s32 $0x10000;
	s30 =	simm.s32 $0x1  }
0x6: {  	s31 =	simm.s32 $0x12000;
	s10 =	simm.s32 $0x0;
	s0 =	sand.u32 $0x1, s0  }
0x7: {  	s4 =	sshll.u32 s4, $0x11;
	[smem:$0x7FF] =	sst s6;
	s16 =	sadd.s32 $0x400, s5  }
0x8: {  	s17 =	sadd.s32 $0x800, s5;
	s1 =	ssub.s32 $0x2, s0;
	s0 =	sshll.u32 s0, $0x10  }
0x9: {  	s18 =	sadd.s32 $0xC00, s5;
	s8 =	sshrl.u32 s1, $0x1;
	s7 =	sor.u32 s0, s4  }
0xa: {  	_ =	strace $0x80000047;
	s15 =	ssub.s32 s1, s8;
	s4 =	sadd.s32 s2, s7  }
0xb: {  	s19 =	sor.u32 $0x400, s7;
	s20 =	sadd.s32 s3, s7;
	[dreg:$0x5] =	wrdreg s4  }
0xc: {  	s22 =	sor.u32 $0x800, s7;
	[dreg:$0x6] =	wrdreg s20;
	s21 =	sadd.s32 s2, s19  }
0xd: {  	s23 =	sor.u32 $0xC00, s7;
	s1 =	sadd.s32 s3, s19;
	[dreg:$0x7] =	wrdreg s21  }
0xe: {  	s24 =	sadd.s32 s2, s22;
	s25 =	sadd.s32 s2, s23;
	[dreg:$0x8] =	wrdreg s1  }
.Ltmp0:
0xf: {  	s26 =	sadd.s32 s3, s23;
	[dreg:$0x9] =	wrdreg s24;
	(pc) =	sbr.rel .LBB2_1-.Ltmp0, $4  }
0x10: {  	s0 =	smax.u32 s15, $0x1;
	s4 =	simm.s32 $0x14000;
	[dreg:$0xb] =	wrdreg s25  }
0x11: {  	s23 =	simm.s32 $0x18000;
	s1 =	sadd.s32 s3, s22;
	[dreg:$0xc] =	wrdreg s26  }
0x12: {  	[dreg:$0xd] =	wrdreg s0;
	s0 =	simm.s32 $0x2;
	s21 =	simm.s32 $0x16000  }
0x13: {  	s22 =	simm.s32 $0x4;
	[dreg:$0xa] =	wrdreg s1;
	s1 =	simm.s32 $0x3  }
.LBB2_12:
0x14: {  	s8 =	simm.s32 $0x5  }
0x15: {  	_ =	swait.ge [sflag:s8], $0x2000  }
0x16: {  	[sflag:s8] =	ssyncset.done $0x0  }
0x17: {  	s24 =	simm.s32 $0x6;
	[sflag:s8] =	ssyncadd.s32 $0xFFFFE000  }
0x18: {  	_ =	swait.ge [sflag:s24], $0x2000  }
0x19: {  	[sflag:s24] =	ssyncset.done $0x0  }
0x1a: {  	s25 =	simm.s32 $0x7;
	[sflag:s24] =	ssyncadd.s32 $0xFFFFE000  }
0x1b: {  	_ =	swait.ge [sflag:s25], $0x2000  }
0x1c: {  	[sflag:s25] =	ssyncset.done $0x0  }
0x1d: {  	s9 =	simm.s32 $0x8;
	[sflag:s25] =	ssyncadd.s32 $0xFFFFE000  }
0x1e: {  	_ =	swait.ge [sflag:s9], $0x2000  }
0x1f: {  	s10 =	rddreg [dreg:$0xe]  }
0x20: {  	s26 =	rddreg [dreg:$0xd];
	s10 =	sadd.s32 $0x1, s10  }
0x21: {  	p0 =	sne.s32 s10, s26  }
.Ltmp1:
0x22: {  	_ = 	snop;
	(pc) =	sbr.rel @!p0 .LBB2_13-.Ltmp1, $3  }
0x23: {  	_ =	sdelay $0x1  }
0x24: {  	[sflag:s9] =	ssyncset.done $0x0  }
0x25: {  	[sflag:s9] =	ssyncadd.s32 $0xFFFFE000  }
.LBB2_1:
0x26: {  	[dreg:$0xe] =	wrdreg s10  }
0x27: {  	s8 =	rddreg [dreg:$0x0];
	s25 =	simm.s32 $0x9  }
0x28: {  	[tilespmem:s6], [sflag:$0x9] =	stream.linear.gather [hbm4b:s8+s6], $0x2000, $0x38;
	[tilespmem:$0x1A000] =	vst v63  }
0x29: {  	_ =	swait.ge [sflag:s25], $0x2000  }
0x2a: {  	[sflag:s25] =	ssyncset.done $0x0  }
0x2b: {  	s9 =	simm.s32 $0x2000;
	s26 =	rddreg [dreg:$0x5];
	[sflag:s25] =	ssyncadd.s32 $0xFFFFE000  }
0x2c: {  	[tilespmem:s9], [sflag:$0x1] =	stream.linear.gather [hbm4b:s26+s6], $0x2000, $0x38;
	[tilespmem:$0x1A000] =	vst v63  }
0x2d: {  	s10 =	simm.s32 $0xA000;
	s9 =	rddreg [dreg:$0x6]  }
0x2e: {  	[tilespmem:s10], [sflag:$0x1] =	stream.linear.gather [hbm4b:s9+s6], $0x2000, $0x38;
	[tilespmem:$0x1A000] =	vst v63  }
0x2f: {  	s12 =	simm.s32 $0x4000;
	s11 =	rddreg [dreg:$0x7]  }
0x30: {  	[tilespmem:s12], [sflag:$0x2] =	stream.linear.gather [hbm4b:s11+s6], $0x2000, $0x38;
	[tilespmem:$0x1A000] =	vst v63  }
0x31: {  	s14 =	simm.s32 $0xC000;
	s13 =	rddreg [dreg:$0x8]  }
0x32: {  	[tilespmem:s14], [sflag:$0x2] =	stream.linear.gather [hbm4b:s13+s6], $0x2000, $0x38;
	[tilespmem:$0x1A000] =	vst v63  }
0x33: {  	s19 =	simm.s32 $0x6000;
	s15 =	rddreg [dreg:$0x9]  }
0x34: {  	[tilespmem:s19], [sflag:$0x3] =	stream.linear.gather [hbm4b:s15+s6], $0x2000, $0x38;
	[tilespmem:$0x1A000] =	vst v63  }
0x35: {  	s24 =	simm.s32 $0xE000;
	s20 =	rddreg [dreg:$0xa]  }
0x36: {  	[tilespmem:s24], [sflag:$0x3] =	stream.linear.gather [hbm4b:s20+s6], $0x2000, $0x38;
	[tilespmem:$0x1A000] =	vst v63  }
0x37: {  	s25 =	rddreg [dreg:$0xb]  }
0x38: {  	[tilespmem:s28], [sflag:$0x4] =	stream.linear.gather [hbm4b:s25+s6], $0x2000, $0x38;
	[tilespmem:$0x1A000] =	vst v63  }
0x39: {  	s26 =	rddreg [dreg:$0xc];
	s10 =	simm.s32 $0x0  }
0x3a: {  	[tilespmem:s29], [sflag:$0x4] =	stream.linear.gather [hbm4b:s26+s6], $0x2000, $0x38;
	[tilespmem:$0x1A000] =	vst v63  }
.LBB2_2:
0x3b: {  	_ =	swait.ge [sflag:s30], $0x2000  }
0x3c: {  	[sflag:s30] =	ssyncset.done $0x0  }
0x3d: {  	[sflag:s30] =	ssyncadd.s32 $0xFFFFE000  }
0x3e: {  	_ =	swait.ge [sflag:s30], $0x2000  }
0x3f: {  	p0 =	seq.s32 s10, $0x0;
	s11 =	simm.s32 $0x0;
	[sflag:s30] =	ssyncset.done $0x0  }
0x40: {  	s12 =	simm.s32 @!p0 $0x5;
	s13 =	sand.u32 $0x3, s11;
	[sflag:s30] =	ssyncadd.s32 $0xFFFFE000  }
0x41: {  	s13 =	sshll.u32 s13, $0xB;
	_ =	swait.ge @!p0 [sflag:s12], $0x2000  }
0x42: {  	s15 =	sadd.s32 $0x0, s13;
	[sflag:s12] =	ssyncset.done @!p0 $0x0  }
0x43: {  	s19 =	sor.u32 $0x470, s15;
	[sflag:s12] =	ssyncadd.s32 @!p0 $0xFFFFE000  }
0x44: {  	s14 =	sor.u32 $0x60, s15;
	v0 =	vld [tilespmem:s19+$0x2000]  }
0x45: {  	s13 =	sor.u32 $0x70, s15;
	v1 =	vld [tilespmem:s14+$0x2000]  }
0x46: {  	s26 =	sand.u32 $0x1800, s11;
	s20 =	sand.u32 $0x380, s11;
	s15 =	sor.u32 $0x460, s15;
	v2 =	vld [tilespmem:s13+$0x2000]  }
0x47: {  	s12 =	sor.u32 s20, s26;
	v3 =	vld [tilespmem:s15+$0x2000]  }
0x48: {  	v4 =	vld [tilespmem:s12+$0x2000]  }
0x49: {  	v5 =	vld [tilespmem:s12+$0x2010]  }
0x4a: {  	v6 =	vld [tilespmem:s12+$0x2020]  }
0x4b: {  	v7 =	vld [tilespmem:s12+$0x2030]  }
0x4c: {  	v8 =	vld [tilespmem:s12+$0x2040]  }
0x4d: {  	v9 =	vld [tilespmem:s12+$0x2050]  }
0x4e: {  	v10 =	vld [tilespmem:s12+$0x2400];
	vm0 =	vgt.s32 v0, $0x0  }
0x4f: {  	v12 =	vld [tilespmem:s19+$0xA000];
	v0 =	vnsel vm0, $0x0, v0  }
0x50: {  	v13 =	vld [tilespmem:s12+$0x2420];
	vm15 =	vgt.s32 v2, $0x0  }
0x51: {  	v14 =	vld [tilespmem:s12+$0x2430];
	vm4 =	vgt.s32 v3, $0x0;
	v2 =	vnsel vm15, $0x0, v2  }
0x52: {  	v15 =	vld [tilespmem:s12+$0x2440];
	vm1 =	vgt.s32 v4, $0x0;
	v3 =	vnsel vm4, $0x0, v3  }
0x53: {  	v16 =	vld [tilespmem:s12+$0x2450];
	vm5 =	vgt.s32 v5, $0x0;
	v4 =	vnsel vm1, $0x0, v4  }
0x54: {  	vm14 =	vgt.s32 v1, $0x0;
	v5 =	vnsel vm5, $0x0, v5;
	v11 =	vld.idx.msk [tilespmem:v0+s6+$0x0], $0xffff  }
0x55: {  	vm6 =	vgt.s32 v6, $0x0;
	v0 =	vnsel vm14, $0x0, v1;
	v1 =	vld [tilespmem:s12+$0x2410]  }
0x56: {  	vm8 =	vgt.s32 v8, $0x0;
	v6 =	vnsel vm6, $0x0, v6;
	v18 =	vld.idx.msk [tilespmem:v2+s6+$0x0], $0xffff  }
0x57: {  	vm9 =	vgt.s32 v9, $0x0;
	v2 =	vnsel vm8, $0x0, v8;
	v19 =	vld.idx.msk [tilespmem:v3+s6+$0x0], $0xffff  }
0x58: {  	vm10 =	vgt.s32 v10, $0x0;
	v3 =	vnsel vm9, $0x0, v9;
	v9 =	vld.idx.msk [tilespmem:v4+s6+$0x0], $0xffff  }
0x59: {  	vm7 =	vgt.s32 v7, $0x0;
	v4 =	vnsel vm10, $0x0, v10;
	v10 =	vld.idx.msk [tilespmem:v5+s6+$0x0], $0xffff  }
0x5a: {  	vm12 =	vgt.s32 v13, $0x0;
	v17 =	vld.idx.msk [tilespmem:v0+s6+$0x0], $0xffff;
	v0 =	vnsel vm7, $0x0, v7  }
0x5b: {  	v13 =	vnsel vm12, $0x0, v13;
	v20 =	vld.idx.msk [tilespmem:v6+s6+$0x0], $0xffff  }
0x5c: {  	v7 =	vld.idx.msk [tilespmem:v2+s6+$0x0], $0xffff  }
0x5d: {  	vm11 =	vgt.s32 v1, $0x0;
	v6 =	vld.idx.msk [tilespmem:v3+s6+$0x0], $0xffff  }
0x5e: {  	vm13 =	vgt.s32 v14, $0x0;
	v5 =	vld.idx.msk [tilespmem:v4+s6+$0x0], $0xffff;
	v1 =	vnsel vm11, $0x0, v1  }
0x5f: {  	vm14 =	vgt.s32 v15, $0x0;
	v8 =	vld.idx.msk [tilespmem:v0+s6+$0x0], $0xffff;
	v0 =	vnsel vm13, $0x0, v14  }
0x60: {  	vm15 =	vgt.s32 v16, $0x0;
	v3 =	vld.idx.msk [tilespmem:v13+s6+$0x0], $0xffff;
	v14 =	vnsel vm14, $0x0, v15  }
0x61: {  	v13 =	vld [tilespmem:s14+$0xA000];
	v15 =	vnsel vm15, $0x0, v16  }
0x62: {  	v16 =	vld [tilespmem:s12+$0xA000]  }
0x63: {  	v4 =	vld.idx.msk [tilespmem:v1+s6+$0x0], $0xffff  }
0x64: {  	v2 =	vld.idx.msk [tilespmem:v0+s6+$0x0], $0xffff  }
0x65: {  	v1 =	vld.idx.msk [tilespmem:v14+s6+$0x0], $0xffff  }
0x66: {  	v0 =	vld.idx.msk [tilespmem:v15+s6+$0x0], $0xffff  }
0x67: {  	v15 =	vld [tilespmem:s15+$0xA000]  }
0x68: {  	v14 =	vld [tilespmem:s13+$0xA000]  }
0x69: {  	v21 =	vld [tilespmem:s12+$0xA010];
	v11 =	vmul.f32 v12, v11  }
0x6a: {  	v22 =	vld [tilespmem:s12+$0xA020];
	v17 =	vmul.f32 v13, v17  }
0x6b: {  	[tilespmem:s19+$0x12000] =	vst v11;
	v13 =	vld [tilespmem:s12+$0xA030];
	v16 =	vmul.f32 v16, v9  }
0x6c: {  	v12 =	vld [tilespmem:s12+$0xA040];
	[tilespmem:s14+$0x12000] =	vst v17;
	v15 =	vmul.f32 v15, v19  }
0x6d: {  	v11 =	vld [tilespmem:s12+$0xA050];
	[tilespmem:s12+$0x12000] =	vst v16;
	v14 =	vmul.f32 v14, v18  }
0x6e: {  	v9 =	vld [tilespmem:s12+$0xA400];
	[tilespmem:s15+$0x12000] =	vst v15;
	v15 =	vmul.f32 v21, v10  }
0x6f: {  	s14 =	simm.s32 $0x1;
	[tilespmem:s13+$0x12000] =	vst v14;
	s13 =	simm.s32 $0x0;
	v14 =	vmul.f32 v22, v20;
	v10 =	vld [tilespmem:s12+$0xA410];
	s15 =	simm.s32 $0x0  }
.LBB2_3:
0x70: {  	s19 =	sand.u32 $0x3, s14;
	s13 =	sadd.s32 $0x10, s13;
	[tilespmem:s12+$0x12010] =	vst v15;
	v8 =	vmul.f32 v13, v8;
	v13 =	vld [tilespmem:s12+$0xA420];
	s11 =	sadd.s32 $0x800, s11  }
0x71: {  	s15 =	sadd.s32 $0x20, s15;
	s19 =	sshll.u32 s19, $0xB;
	p1 =	slt.u32 s13, $0x1F0;
	[tilespmem:s12+$0x12020] =	vst v14;
	v7 =	vmul.f32 v12, v7;
	v12 =	vld [tilespmem:s12+$0xA430]  }
0x72: {  	s26 =	sand.u32 $0x1800, s11;
	s8 =	sand.u32 $0x380, s15;
	s20 =	sadd.s32 s19, s15;
	[tilespmem:s12+$0x12030] =	vst v8;
	v6 =	vmul.f32 v11, v6;
	v8 =	vld [tilespmem:s12+$0xA440]  }
0x73: {  	s24 =	sor.u32 $0x60, s20;
	s19 =	sor.u32 $0x70, s20;
	s25 =	sor.u32 $0x470, s20;
	[tilespmem:s12+$0x12040] =	vst v7;
	v5 =	vmul.f32 v9, v5;
	v7 =	vld [tilespmem:s12+$0xA450]  }
0x74: {  	s8 =	sor.u32 s8, s26;
	s20 =	sor.u32 $0x460, s20;
	v9 =	vld [tilespmem:s25+$0x2000];
	[tilespmem:s12+$0x12050] =	vst v6;
	v4 =	vmul.f32 v10, v4  }
0x75: {  	v6 =	vld [tilespmem:s24+$0x2000];
	[tilespmem:s12+$0x12400] =	vst v5;
	v3 =	vmul.f32 v13, v3  }
0x76: {  	v5 =	vld [tilespmem:s19+$0x2000];
	[tilespmem:s12+$0x12410] =	vst v4;
	v2 =	vmul.f32 v12, v2  }
0x77: {  	v4 =	vld [tilespmem:s20+$0x2000];
	[tilespmem:s12+$0x12420] =	vst v3;
	v1 =	vmul.f32 v8, v1  }
0x78: {  	v3 =	vld [tilespmem:s8+$0x2000];
	[tilespmem:s12+$0x12430] =	vst v2;
	v0 =	vmul.f32 v7, v0  }
0x79: {  	v2 =	vld [tilespmem:s8+$0x2010];
	vm0 =	vgt.s32 v9, $0x0;
	[tilespmem:s12+$0x12440] =	vst v1  }
0x7a: {  	v1 =	vld [tilespmem:s8+$0x2020];
	vm1 =	vgt.s32 v6, $0x0;
	v7 =	vnsel vm0, $0x0, v9;
	[tilespmem:s12+$0x12450] =	vst v0;
	s12 =	smov.u32 s8  }
0x7b: {  	v0 =	vld [tilespmem:s12+$0x2030];
	v6 =	vnsel vm1, $0x0, v6;
	vm0 =	vgt.s32 v5, $0x0  }
0x7c: {  	v8 =	vld [tilespmem:s12+$0x2040];
	v5 =	vnsel vm0, $0x0, v5;
	vm0 =	vgt.s32 v4, $0x0  }
0x7d: {  	vm1 =	vgt.s32 v3, $0x0;
	v9 =	vld [tilespmem:s12+$0x2050];
	v4 =	vnsel vm0, $0x0, v4  }
0x7e: {  	v3 =	vnsel vm1, $0x0, v3;
	vm0 =	vgt.s32 v2, $0x0;
	v10 =	vld [tilespmem:s12+$0x2400]  }
0x7f: {  	v2 =	vnsel vm0, $0x0, v2;
	vm0 =	vgt.s32 v1, $0x0;
	v7 =	vld.idx.msk [tilespmem:v7+s6+$0x0], $0xffff  }
0x80: {  	v1 =	vnsel vm0, $0x0, v1;
	vm0 =	vgt.s32 v0, $0x0;
	v11 =	vld [tilespmem:s25+$0xA000]  }
0x81: {  	v0 =	vnsel vm0, $0x0, v0;
	vm0 =	vgt.s32 v8, $0x0;
	v12 =	vld [tilespmem:s12+$0x2410]  }
0x82: {  	v13 =	vnsel vm0, $0x0, v8;
	vm0 =	vgt.s32 v9, $0x0;
	v8 =	vld [tilespmem:s12+$0x2420]  }
0x83: {  	v9 =	vnsel vm0, $0x0, v9;
	vm0 =	vgt.s32 v10, $0x0;
	v14 =	vld [tilespmem:s12+$0x2430]  }
0x84: {  	v10 =	vnsel vm0, $0x0, v10;
	v15 =	vld [tilespmem:s12+$0x2440]  }
0x85: {  	v16 =	vld [tilespmem:s12+$0x2450];
	v7 =	vmul.f32 v11, v7  }
0x86: {  	v11 =	vld.idx.msk [tilespmem:v6+s6+$0x0], $0xffff;
	vm0 =	vgt.s32 v12, $0x0  }
0x87: {  	v17 =	vld.idx.msk [tilespmem:v5+s6+$0x0], $0xffff;
	v12 =	vnsel vm0, $0x0, v12;
	vm0 =	vgt.s32 v8, $0x0;
	[tilespmem:s25+$0x12000] =	vst v7  }
0x88: {  	v18 =	vnsel vm0, $0x0, v8;
	vm0 =	vgt.s32 v14, $0x0;
	v19 =	vld.idx.msk [tilespmem:v4+s6+$0x0], $0xffff  }
0x89: {  	v20 =	vld.idx.msk [tilespmem:v3+s6+$0x0], $0xffff;
	v14 =	vnsel vm0, $0x0, v14;
	vm0 =	vgt.s32 v15, $0x0  }
0x8a: {  	v21 =	vld.idx.msk [tilespmem:v2+s6+$0x0], $0xffff;
	v15 =	vnsel vm0, $0x0, v15;
	vm0 =	vgt.s32 v16, $0x0  }
0x8b: {  	v22 =	vld.idx.msk [tilespmem:v1+s6+$0x0], $0xffff;
	v16 =	vnsel vm0, $0x0, v16  }
0x8c: {  	v8 =	vld.idx.msk [tilespmem:v0+s6+$0x0], $0xffff  }
0x8d: {  	v7 =	vld.idx.msk [tilespmem:v13+s6+$0x0], $0xffff  }
0x8e: {  	v6 =	vld.idx.msk [tilespmem:v9+s6+$0x0], $0xffff  }
0x8f: {  	v5 =	vld.idx.msk [tilespmem:v10+s6+$0x0], $0xffff  }
0x90: {  	v4 =	vld.idx.msk [tilespmem:v12+s6+$0x0], $0xffff  }
0x91: {  	v3 =	vld.idx.msk [tilespmem:v18+s6+$0x0], $0xffff  }
0x92: {  	v2 =	vld.idx.msk [tilespmem:v14+s6+$0x0], $0xffff  }
0x93: {  	v1 =	vld.idx.msk [tilespmem:v15+s6+$0x0], $0xffff  }
0x94: {  	v0 =	vld.idx.msk [tilespmem:v16+s6+$0x0], $0xffff  }
0x95: {  	v9 =	vld [tilespmem:s24+$0xA000]  }
0x96: {  	v10 =	vld [tilespmem:s19+$0xA000]  }
0x97: {  	v14 =	vld [tilespmem:s20+$0xA000]  }
0x98: {  	v15 =	vld [tilespmem:s12+$0xA000]  }
0x99: {  	v16 =	vld [tilespmem:s12+$0xA010]  }
0x9a: {  	v18 =	vld [tilespmem:s12+$0xA020];
	v9 =	vmul.f32 v9, v11  }
.Ltmp2:
0x9b: {  	v13 =	vld [tilespmem:s12+$0xA030];
	v10 =	vmul.f32 v10, v17;
	(pc) =	sbr.rel @p1 .LBB2_3-.Ltmp2, $4  }
0x9c: {  	v12 =	vld [tilespmem:s12+$0xA040];
	[tilespmem:s24+$0x12000] =	vst v9;
	v14 =	vmul.f32 v14, v19  }
0x9d: {  	v17 =	vmul.f32 v15, v20;
	v11 =	vld [tilespmem:s12+$0xA050];
	[tilespmem:s19+$0x12000] =	vst v10  }
0x9e: {  	v15 =	vmul.f32 v16, v21;
	v9 =	vld [tilespmem:s12+$0xA400];
	[tilespmem:s20+$0x12000] =	vst v14  }
0x9f: {  	s14 =	sadd.s32 $0x1, s14;
	[tilespmem:s12+$0x12000] =	vst v17;
	v14 =	vmul.f32 v18, v22;
	v10 =	vld [tilespmem:s12+$0xA410]  }
0xa0: {  	[tilespmem:s12+$0x12010] =	vst v15;
	v8 =	vmul.f32 v13, v8;
	v13 =	vld [tilespmem:s12+$0xA420]  }
0xa1: {  	[tilespmem:s12+$0x12020] =	vst v14;
	v7 =	vmul.f32 v12, v7;
	v12 =	vld [tilespmem:s12+$0xA430]  }
0xa2: {  	[tilespmem:s12+$0x12030] =	vst v8;
	v6 =	vmul.f32 v11, v6;
	v8 =	vld [tilespmem:s12+$0xA440]  }
0xa3: {  	[tilespmem:s12+$0x12040] =	vst v7;
	v5 =	vmul.f32 v9, v5;
	v7 =	vld [tilespmem:s12+$0xA450]  }
0xa4: {  	[tilespmem:s12+$0x12050] =	vst v6;
	v4 =	vmul.f32 v10, v4  }
0xa5: {  	[tilespmem:s12+$0x12400] =	vst v5;
	v3 =	vmul.f32 v13, v3  }
0xa6: {  	[tilespmem:s12+$0x12410] =	vst v4;
	v2 =	vmul.f32 v12, v2  }
0xa7: {  	[tilespmem:s12+$0x12420] =	vst v3;
	v1 =	vmul.f32 v8, v1  }
0xa8: {  	s8 =	sshll.u32 s10, $0xC;
	[tilespmem:s12+$0x12430] =	vst v2;
	v0 =	vmul.f32 v7, v0  }
0xa9: {  	s11 =	sadd.s32 s7, s8;
	[tilespmem:s12+$0x12440] =	vst v1  }
0xaa: {  	p1 =	seq.s32 s10, $0xF;
	s8 =	sadd.s32 s5, s11;
	[tilespmem:s12+$0x12450] =	vst v0  }
0xab: {  	[hbm4b:s8+s6] =	stream.linear.scatter [tilespmem:s31], [sflag:$0x5], $0x2000, $0x38;
	[tilespmem:$0x1A000] =	vst v63  }
0xac: {  	s8 =	sadd.s32 @!p1 $0x1000, s11  }
0xad: {  	s13 =	simm.s32 @!p1 $0x0;
	s14 =	simm.s32 @!p1 $0x2000;
	s12 =	sadd.s32 @!p1 s2, s8  }
0xae: {  	[tilespmem:s14], [sflag:$0x1] =	stream.linear.gather @!p1 [hbm4b:s12+s13], $0x2000, $0x38;
	[tilespmem:$0x1A000] =	vst v63  }
0xaf: {  	s8 =	sadd.s32 @!p1 s3, s8;
	s12 =	simm.s32 @!p1 $0xA000  }
0xb0: {  	[tilespmem:s12], [sflag:$0x1] =	stream.linear.gather @!p1 [hbm4b:s8+s13], $0x2000, $0x38;
	[tilespmem:$0x1A000] =	vst v63  }
0xb1: {  	_ =	swait.ge [sflag:s0], $0x2000  }
0xb2: {  	[sflag:s0] =	ssyncset.done $0x0  }
0xb3: {  	[sflag:s0] =	ssyncadd.s32 $0xFFFFE000  }
0xb4: {  	_ =	swait.ge [sflag:s0], $0x2000  }
0xb5: {  	s13 =	simm.s32 $0x0;
	[sflag:s0] =	ssyncset.done $0x0  }
0xb6: {  	s8 =	simm.s32 @!p0 $0x6;
	s24 =	sand.u32 $0x3, s13;
	[sflag:s0] =	ssyncadd.s32 $0xFFFFE000  }
0xb7: {  	s12 =	sshll.u32 s24, $0xB;
	_ =	swait.ge @!p0 [sflag:s8], $0x2000  }
0xb8: {  	s12 =	sadd.s32 $0x0, s12;
	[sflag:s8] =	ssyncset.done @!p0 $0x0  }
0xb9: {  	s20 =	sor.u32 $0x470, s12;
	[sflag:s8] =	ssyncadd.s32 @!p0 $0xFFFFE000  }
0xba: {  	s15 =	sor.u32 $0x60, s12;
	v0 =	vld [tilespmem:s20+$0x4000]  }
0xbb: {  	s25 =	sor.u32 $0x70, s12;
	v1 =	vld [tilespmem:s15+$0x4000]  }
0xbc: {  	s26 =	sand.u32 $0x1800, s13;
	s24 =	sand.u32 $0x380, s13;
	s19 =	sor.u32 $0x460, s12;
	v2 =	vld [tilespmem:s25+$0x4000]  }
0xbd: {  	s12 =	sor.u32 s24, s26;
	v3 =	vld [tilespmem:s19+$0x4000]  }
0xbe: {  	v4 =	vld [tilespmem:s12+$0x4000]  }
0xbf: {  	v5 =	vld [tilespmem:s12+$0x4010]  }
0xc0: {  	v6 =	vld [tilespmem:s12+$0x4020]  }
0xc1: {  	v7 =	vld [tilespmem:s12+$0x4030]  }
0xc2: {  	v8 =	vld [tilespmem:s12+$0x4040]  }
0xc3: {  	v9 =	vld [tilespmem:s12+$0x4050]  }
0xc4: {  	v10 =	vld [tilespmem:s12+$0x4400];
	vm0 =	vgt.s32 v0, $0x0  }
0xc5: {  	v12 =	vld [tilespmem:s20+$0xC000];
	v0 =	vnsel vm0, $0x0, v0  }
0xc6: {  	v13 =	vld [tilespmem:s12+$0x4420];
	vm15 =	vgt.s32 v2, $0x0  }
0xc7: {  	v14 =	vld [tilespmem:s12+$0x4430];
	vm4 =	vgt.s32 v3, $0x0;
	v2 =	vnsel vm15, $0x0, v2  }
0xc8: {  	v15 =	vld [tilespmem:s12+$0x4440];
	vm1 =	vgt.s32 v4, $0x0;
	v3 =	vnsel vm4, $0x0, v3  }
0xc9: {  	v16 =	vld [tilespmem:s12+$0x4450];
	vm5 =	vgt.s32 v5, $0x0;
	v4 =	vnsel vm1, $0x0, v4  }
0xca: {  	vm14 =	vgt.s32 v1, $0x0;
	v5 =	vnsel vm5, $0x0, v5;
	v11 =	vld.idx.msk [tilespmem:v0+s6+$0x0], $0xffff  }
0xcb: {  	vm6 =	vgt.s32 v6, $0x0;
	v0 =	vnsel vm14, $0x0, v1;
	v1 =	vld [tilespmem:s12+$0x4410]  }
0xcc: {  	vm8 =	vgt.s32 v8, $0x0;
	v6 =	vnsel vm6, $0x0, v6;
	v18 =	vld.idx.msk [tilespmem:v2+s6+$0x0], $0xffff  }
0xcd: {  	vm9 =	vgt.s32 v9, $0x0;
	v2 =	vnsel vm8, $0x0, v8;
	v19 =	vld.idx.msk [tilespmem:v3+s6+$0x0], $0xffff  }
0xce: {  	vm10 =	vgt.s32 v10, $0x0;
	v3 =	vnsel vm9, $0x0, v9;
	v9 =	vld.idx.msk [tilespmem:v4+s6+$0x0], $0xffff  }
0xcf: {  	vm7 =	vgt.s32 v7, $0x0;
	v4 =	vnsel vm10, $0x0, v10;
	v10 =	vld.idx.msk [tilespmem:v5+s6+$0x0], $0xffff  }
0xd0: {  	vm12 =	vgt.s32 v13, $0x0;
	v17 =	vld.idx.msk [tilespmem:v0+s6+$0x0], $0xffff;
	v0 =	vnsel vm7, $0x0, v7  }
0xd1: {  	v13 =	vnsel vm12, $0x0, v13;
	v20 =	vld.idx.msk [tilespmem:v6+s6+$0x0], $0xffff  }
0xd2: {  	v7 =	vld.idx.msk [tilespmem:v2+s6+$0x0], $0xffff  }
0xd3: {  	vm11 =	vgt.s32 v1, $0x0;
	v6 =	vld.idx.msk [tilespmem:v3+s6+$0x0], $0xffff  }
0xd4: {  	vm13 =	vgt.s32 v14, $0x0;
	v5 =	vld.idx.msk [tilespmem:v4+s6+$0x0], $0xffff;
	v1 =	vnsel vm11, $0x0, v1  }
0xd5: {  	vm14 =	vgt.s32 v15, $0x0;
	v8 =	vld.idx.msk [tilespmem:v0+s6+$0x0], $0xffff;
	v0 =	vnsel vm13, $0x0, v14  }
0xd6: {  	vm15 =	vgt.s32 v16, $0x0;
	v3 =	vld.idx.msk [tilespmem:v13+s6+$0x0], $0xffff;
	v14 =	vnsel vm14, $0x0, v15  }
0xd7: {  	v13 =	vld [tilespmem:s15+$0xC000];
	v15 =	vnsel vm15, $0x0, v16  }
0xd8: {  	v16 =	vld [tilespmem:s12+$0xC000]  }
0xd9: {  	v4 =	vld.idx.msk [tilespmem:v1+s6+$0x0], $0xffff  }
0xda: {  	v2 =	vld.idx.msk [tilespmem:v0+s6+$0x0], $0xffff  }
0xdb: {  	v1 =	vld.idx.msk [tilespmem:v14+s6+$0x0], $0xffff  }
0xdc: {  	v0 =	vld.idx.msk [tilespmem:v15+s6+$0x0], $0xffff  }
0xdd: {  	v15 =	vld [tilespmem:s19+$0xC000]  }
0xde: {  	v14 =	vld [tilespmem:s25+$0xC000]  }
0xdf: {  	v21 =	vld [tilespmem:s12+$0xC010];
	v11 =	vmul.f32 v12, v11  }
0xe0: {  	v22 =	vld [tilespmem:s12+$0xC020];
	v17 =	vmul.f32 v13, v17  }
0xe1: {  	[tilespmem:s20+$0x14000] =	vst v11;
	v13 =	vld [tilespmem:s12+$0xC030];
	v16 =	vmul.f32 v16, v9  }
0xe2: {  	v12 =	vld [tilespmem:s12+$0xC040];
	[tilespmem:s15+$0x14000] =	vst v17;
	v15 =	vmul.f32 v15, v19  }
0xe3: {  	v11 =	vld [tilespmem:s12+$0xC050];
	[tilespmem:s12+$0x14000] =	vst v16;
	v14 =	vmul.f32 v14, v18  }
0xe4: {  	v9 =	vld [tilespmem:s12+$0xC400];
	[tilespmem:s19+$0x14000] =	vst v15;
	v15 =	vmul.f32 v21, v10  }
0xe5: {  	s14 =	simm.s32 $0x0;
	s15 =	simm.s32 $0x1;
	[tilespmem:s25+$0x14000] =	vst v14;
	v14 =	vmul.f32 v22, v20;
	v10 =	vld [tilespmem:s12+$0xC410];
	s19 =	simm.s32 $0x0  }
.LBB2_5:
0xe6: {  	s8 =	sand.u32 $0x3, s15;
	s14 =	sadd.s32 $0x10, s14;
	[tilespmem:s12+$0x14010] =	vst v15;
	v8 =	vmul.f32 v13, v8;
	v13 =	vld [tilespmem:s12+$0xC420];
	s13 =	sadd.s32 $0x800, s13  }
0xe7: {  	s19 =	sadd.s32 $0x20, s19;
	s8 =	sshll.u32 s8, $0xB;
	p2 =	slt.u32 s14, $0x1F0;
	[tilespmem:s12+$0x14020] =	vst v14;
	v7 =	vmul.f32 v12, v7;
	v12 =	vld [tilespmem:s12+$0xC430]  }
0xe8: {  	s24 =	sand.u32 $0x1800, s13;
	s9 =	sand.u32 $0x380, s19;
	s8 =	sadd.s32 s8, s19;
	[tilespmem:s12+$0x14030] =	vst v8;
	v6 =	vmul.f32 v11, v6;
	v8 =	vld [tilespmem:s12+$0xC440]  }
0xe9: {  	s25 =	sor.u32 $0x60, s8;
	s20 =	sor.u32 $0x70, s8;
	s26 =	sor.u32 $0x470, s8;
	[tilespmem:s12+$0x14040] =	vst v7;
	v5 =	vmul.f32 v9, v5;
	v7 =	vld [tilespmem:s12+$0xC450]  }
0xea: {  	s9 =	sor.u32 s9, s24;
	s24 =	sor.u32 $0x460, s8;
	v9 =	vld [tilespmem:s26+$0x4000];
	[tilespmem:s12+$0x14050] =	vst v6;
	v4 =	vmul.f32 v10, v4  }
0xeb: {  	v6 =	vld [tilespmem:s25+$0x4000];
	[tilespmem:s12+$0x14400] =	vst v5;
	v3 =	vmul.f32 v13, v3  }
0xec: {  	v5 =	vld [tilespmem:s20+$0x4000];
	[tilespmem:s12+$0x14410] =	vst v4;
	v2 =	vmul.f32 v12, v2  }
0xed: {  	v4 =	vld [tilespmem:s24+$0x4000];
	[tilespmem:s12+$0x14420] =	vst v3;
	v1 =	vmul.f32 v8, v1  }
0xee: {  	v3 =	vld [tilespmem:s9+$0x4000];
	[tilespmem:s12+$0x14430] =	vst v2;
	v0 =	vmul.f32 v7, v0  }
0xef: {  	v2 =	vld [tilespmem:s9+$0x4010];
	vm0 =	vgt.s32 v9, $0x0;
	[tilespmem:s12+$0x14440] =	vst v1  }
0xf0: {  	v1 =	vld [tilespmem:s9+$0x4020];
	vm1 =	vgt.s32 v6, $0x0;
	v7 =	vnsel vm0, $0x0, v9;
	[tilespmem:s12+$0x14450] =	vst v0;
	s12 =	smov.u32 s9  }
0xf1: {  	v0 =	vld [tilespmem:s12+$0x4030];
	v6 =	vnsel vm1, $0x0, v6;
	vm0 =	vgt.s32 v5, $0x0  }
0xf2: {  	v8 =	vld [tilespmem:s12+$0x4040];
	v5 =	vnsel vm0, $0x0, v5;
	vm0 =	vgt.s32 v4, $0x0  }
0xf3: {  	vm1 =	vgt.s32 v3, $0x0;
	v9 =	vld [tilespmem:s12+$0x4050];
	v4 =	vnsel vm0, $0x0, v4  }
0xf4: {  	v3 =	vnsel vm1, $0x0, v3;
	vm0 =	vgt.s32 v2, $0x0;
	v10 =	vld [tilespmem:s12+$0x4400]  }
0xf5: {  	v2 =	vnsel vm0, $0x0, v2;
	vm0 =	vgt.s32 v1, $0x0;
	v7 =	vld.idx.msk [tilespmem:v7+s6+$0x0], $0xffff  }
0xf6: {  	v1 =	vnsel vm0, $0x0, v1;
	vm0 =	vgt.s32 v0, $0x0;
	v11 =	vld [tilespmem:s26+$0xC000]  }
0xf7: {  	v0 =	vnsel vm0, $0x0, v0;
	vm0 =	vgt.s32 v8, $0x0;
	v12 =	vld [tilespmem:s12+$0x4410]  }
0xf8: {  	v13 =	vnsel vm0, $0x0, v8;
	vm0 =	vgt.s32 v9, $0x0;
	v8 =	vld [tilespmem:s12+$0x4420]  }
0xf9: {  	v9 =	vnsel vm0, $0x0, v9;
	vm0 =	vgt.s32 v10, $0x0;
	v14 =	vld [tilespmem:s12+$0x4430]  }
0xfa: {  	v10 =	vnsel vm0, $0x0, v10;
	v15 =	vld [tilespmem:s12+$0x4440]  }
0xfb: {  	v16 =	vld [tilespmem:s12+$0x4450];
	v7 =	vmul.f32 v11, v7  }
0xfc: {  	v11 =	vld.idx.msk [tilespmem:v6+s6+$0x0], $0xffff;
	vm0 =	vgt.s32 v12, $0x0  }
0xfd: {  	v17 =	vld.idx.msk [tilespmem:v5+s6+$0x0], $0xffff;
	v12 =	vnsel vm0, $0x0, v12;
	vm0 =	vgt.s32 v8, $0x0;
	[tilespmem:s26+$0x14000] =	vst v7  }
0xfe: {  	v18 =	vnsel vm0, $0x0, v8;
	vm0 =	vgt.s32 v14, $0x0;
	v19 =	vld.idx.msk [tilespmem:v4+s6+$0x0], $0xffff  }
0xff: {  	v20 =	vld.idx.msk [tilespmem:v3+s6+$0x0], $0xffff;
	v14 =	vnsel vm0, $0x0, v14;
	vm0 =	vgt.s32 v15, $0x0  }
0x100: {  	v21 =	vld.idx.msk [tilespmem:v2+s6+$0x0], $0xffff;
	v15 =	vnsel vm0, $0x0, v15;
	vm0 =	vgt.s32 v16, $0x0  }
0x101: {  	v22 =	vld.idx.msk [tilespmem:v1+s6+$0x0], $0xffff;
	v16 =	vnsel vm0, $0x0, v16  }
0x102: {  	v8 =	vld.idx.msk [tilespmem:v0+s6+$0x0], $0xffff  }
0x103: {  	v7 =	vld.idx.msk [tilespmem:v13+s6+$0x0], $0xffff  }
0x104: {  	v6 =	vld.idx.msk [tilespmem:v9+s6+$0x0], $0xffff  }
0x105: {  	v5 =	vld.idx.msk [tilespmem:v10+s6+$0x0], $0xffff  }
0x106: {  	v4 =	vld.idx.msk [tilespmem:v12+s6+$0x0], $0xffff  }
0x107: {  	v3 =	vld.idx.msk [tilespmem:v18+s6+$0x0], $0xffff  }
0x108: {  	v2 =	vld.idx.msk [tilespmem:v14+s6+$0x0], $0xffff  }
0x109: {  	v1 =	vld.idx.msk [tilespmem:v15+s6+$0x0], $0xffff  }
0x10a: {  	v0 =	vld.idx.msk [tilespmem:v16+s6+$0x0], $0xffff  }
0x10b: {  	v9 =	vld [tilespmem:s25+$0xC000]  }
0x10c: {  	v10 =	vld [tilespmem:s20+$0xC000]  }
0x10d: {  	v14 =	vld [tilespmem:s24+$0xC000]  }
0x10e: {  	v15 =	vld [tilespmem:s12+$0xC000]  }
0x10f: {  	v16 =	vld [tilespmem:s12+$0xC010]  }
0x110: {  	v18 =	vld [tilespmem:s12+$0xC020];
	v9 =	vmul.f32 v9, v11  }
.Ltmp3:
0x111: {  	v13 =	vld [tilespmem:s12+$0xC030];
	v10 =	vmul.f32 v10, v17;
	(pc) =	sbr.rel @p2 .LBB2_5-.Ltmp3, $4  }
0x112: {  	v12 =	vld [tilespmem:s12+$0xC040];
	[tilespmem:s25+$0x14000] =	vst v9;
	v14 =	vmul.f32 v14, v19  }
0x113: {  	v17 =	vmul.f32 v15, v20;
	v11 =	vld [tilespmem:s12+$0xC050];
	[tilespmem:s20+$0x14000] =	vst v10  }
0x114: {  	v15 =	vmul.f32 v16, v21;
	v9 =	vld [tilespmem:s12+$0xC400];
	[tilespmem:s24+$0x14000] =	vst v14  }
0x115: {  	s15 =	sadd.s32 $0x1, s15;
	[tilespmem:s12+$0x14000] =	vst v17;
	v14 =	vmul.f32 v18, v22;
	v10 =	vld [tilespmem:s12+$0xC410]  }
0x116: {  	[tilespmem:s12+$0x14010] =	vst v15;
	v8 =	vmul.f32 v13, v8;
	v13 =	vld [tilespmem:s12+$0xC420]  }
0x117: {  	[tilespmem:s12+$0x14020] =	vst v14;
	v7 =	vmul.f32 v12, v7;
	v12 =	vld [tilespmem:s12+$0xC430]  }
0x118: {  	[tilespmem:s12+$0x14030] =	vst v8;
	v6 =	vmul.f32 v11, v6;
	v8 =	vld [tilespmem:s12+$0xC440]  }
0x119: {  	[tilespmem:s12+$0x14040] =	vst v7;
	v5 =	vmul.f32 v9, v5;
	v7 =	vld [tilespmem:s12+$0xC450]  }
0x11a: {  	[tilespmem:s12+$0x14050] =	vst v6;
	v4 =	vmul.f32 v10, v4  }
0x11b: {  	[tilespmem:s12+$0x14400] =	vst v5;
	v3 =	vmul.f32 v13, v3  }
0x11c: {  	[tilespmem:s12+$0x14410] =	vst v4;
	v2 =	vmul.f32 v12, v2  }
0x11d: {  	[tilespmem:s12+$0x14420] =	vst v3;
	v1 =	vmul.f32 v8, v1  }
0x11e: {  	[tilespmem:s12+$0x14430] =	vst v2;
	v0 =	vmul.f32 v7, v0  }
0x11f: {  	[tilespmem:s12+$0x14440] =	vst v1  }
0x120: {  	s8 =	sadd.s32 s11, s16;
	[tilespmem:s12+$0x14450] =	vst v0  }
0x121: {  	[hbm4b:s8+s6] =	stream.linear.scatter [tilespmem:s4], [sflag:$0x6], $0x2000, $0x38;
	[tilespmem:$0x1A000] =	vst v63  }
0x122: {  	s8 =	sadd.s32 @!p1 $0x1400, s11  }
0x123: {  	s13 =	simm.s32 @!p1 $0x4000;
	s12 =	simm.s32 @!p1 $0x0;
	s9 =	sadd.s32 @!p1 s2, s8  }
0x124: {  	[tilespmem:s13], [sflag:$0x2] =	stream.linear.gather @!p1 [hbm4b:s9+s12], $0x2000, $0x38;
	[tilespmem:$0x1A000] =	vst v63  }
0x125: {  	s8 =	sadd.s32 @!p1 s3, s8;
	s9 =	simm.s32 @!p1 $0xC000  }
0x126: {  	[tilespmem:s9], [sflag:$0x2] =	stream.linear.gather @!p1 [hbm4b:s8+s12], $0x2000, $0x38;
	[tilespmem:$0x1A000] =	vst v63  }
0x127: {  	_ =	swait.ge [sflag:s1], $0x2000  }
0x128: {  	[sflag:s1] =	ssyncset.done $0x0  }
0x129: {  	[sflag:s1] =	ssyncadd.s32 $0xFFFFE000  }
0x12a: {  	_ =	swait.ge [sflag:s1], $0x2000  }
0x12b: {  	s13 =	simm.s32 $0x0;
	[sflag:s1] =	ssyncset.done $0x0  }
0x12c: {  	s24 =	sand.u32 $0x3, s13;
	s8 =	simm.s32 @!p0 $0x7;
	[sflag:s1] =	ssyncadd.s32 $0xFFFFE000  }
0x12d: {  	s9 =	sshll.u32 s24, $0xB;
	_ =	swait.ge @!p0 [sflag:s8], $0x2000  }
0x12e: {  	s9 =	sadd.s32 $0x0, s9;
	[sflag:s8] =	ssyncset.done @!p0 $0x0  }
0x12f: {  	s20 =	sor.u32 $0x470, s9;
	[sflag:s8] =	ssyncadd.s32 @!p0 $0xFFFFE000  }
0x130: {  	s15 =	sor.u32 $0x60, s9;
	v0 =	vld [tilespmem:s20+$0x6000]  }
0x131: {  	s14 =	sor.u32 $0x70, s9;
	v1 =	vld [tilespmem:s15+$0x6000]  }
0x132: {  	s25 =	sand.u32 $0x1800, s13;
	s26 =	sand.u32 $0x380, s13;
	s19 =	sor.u32 $0x460, s9;
	v2 =	vld [tilespmem:s14+$0x6000]  }
0x133: {  	s12 =	sor.u32 s26, s25;
	v3 =	vld [tilespmem:s19+$0x6000]  }
0x134: {  	v4 =	vld [tilespmem:s12+$0x6000]  }
0x135: {  	v5 =	vld [tilespmem:s12+$0x6010]  }
0x136: {  	v6 =	vld [tilespmem:s12+$0x6020]  }
0x137: {  	v7 =	vld [tilespmem:s12+$0x6030]  }
0x138: {  	v8 =	vld [tilespmem:s12+$0x6040]  }
0x139: {  	v9 =	vld [tilespmem:s12+$0x6050]  }
0x13a: {  	v10 =	vld [tilespmem:s12+$0x6400];
	vm0 =	vgt.s32 v0, $0x0  }
0x13b: {  	v12 =	vld [tilespmem:s20+$0xE000];
	v0 =	vnsel vm0, $0x0, v0  }
0x13c: {  	v13 =	vld [tilespmem:s12+$0x6420];
	vm15 =	vgt.s32 v2, $0x0  }
0x13d: {  	v14 =	vld [tilespmem:s12+$0x6430];
	vm4 =	vgt.s32 v3, $0x0;
	v2 =	vnsel vm15, $0x0, v2  }
0x13e: {  	v15 =	vld [tilespmem:s12+$0x6440];
	vm1 =	vgt.s32 v4, $0x0;
	v3 =	vnsel vm4, $0x0, v3  }
0x13f: {  	v16 =	vld [tilespmem:s12+$0x6450];
	vm5 =	vgt.s32 v5, $0x0;
	v4 =	vnsel vm1, $0x0, v4  }
0x140: {  	vm14 =	vgt.s32 v1, $0x0;
	v5 =	vnsel vm5, $0x0, v5;
	v11 =	vld.idx.msk [tilespmem:v0+s6+$0x0], $0xffff  }
0x141: {  	vm6 =	vgt.s32 v6, $0x0;
	v0 =	vnsel vm14, $0x0, v1;
	v1 =	vld [tilespmem:s12+$0x6410]  }
0x142: {  	vm8 =	vgt.s32 v8, $0x0;
	v6 =	vnsel vm6, $0x0, v6;
	v18 =	vld.idx.msk [tilespmem:v2+s6+$0x0], $0xffff  }
0x143: {  	vm9 =	vgt.s32 v9, $0x0;
	v2 =	vnsel vm8, $0x0, v8;
	v19 =	vld.idx.msk [tilespmem:v3+s6+$0x0], $0xffff  }
0x144: {  	vm10 =	vgt.s32 v10, $0x0;
	v3 =	vnsel vm9, $0x0, v9;
	v9 =	vld.idx.msk [tilespmem:v4+s6+$0x0], $0xffff  }
0x145: {  	vm7 =	vgt.s32 v7, $0x0;
	v4 =	vnsel vm10, $0x0, v10;
	v10 =	vld.idx.msk [tilespmem:v5+s6+$0x0], $0xffff  }
0x146: {  	vm12 =	vgt.s32 v13, $0x0;
	v17 =	vld.idx.msk [tilespmem:v0+s6+$0x0], $0xffff;
	v0 =	vnsel vm7, $0x0, v7  }
0x147: {  	v13 =	vnsel vm12, $0x0, v13;
	v20 =	vld.idx.msk [tilespmem:v6+s6+$0x0], $0xffff  }
0x148: {  	v7 =	vld.idx.msk [tilespmem:v2+s6+$0x0], $0xffff  }
0x149: {  	vm11 =	vgt.s32 v1, $0x0;
	v6 =	vld.idx.msk [tilespmem:v3+s6+$0x0], $0xffff  }
0x14a: {  	vm13 =	vgt.s32 v14, $0x0;
	v5 =	vld.idx.msk [tilespmem:v4+s6+$0x0], $0xffff;
	v1 =	vnsel vm11, $0x0, v1  }
0x14b: {  	vm14 =	vgt.s32 v15, $0x0;
	v8 =	vld.idx.msk [tilespmem:v0+s6+$0x0], $0xffff;
	v0 =	vnsel vm13, $0x0, v14  }
0x14c: {  	vm15 =	vgt.s32 v16, $0x0;
	v3 =	vld.idx.msk [tilespmem:v13+s6+$0x0], $0xffff;
	v14 =	vnsel vm14, $0x0, v15  }
0x14d: {  	v13 =	vld [tilespmem:s15+$0xE000];
	v15 =	vnsel vm15, $0x0, v16  }
0x14e: {  	v16 =	vld [tilespmem:s12+$0xE000]  }
0x14f: {  	v4 =	vld.idx.msk [tilespmem:v1+s6+$0x0], $0xffff  }
0x150: {  	v2 =	vld.idx.msk [tilespmem:v0+s6+$0x0], $0xffff  }
0x151: {  	v1 =	vld.idx.msk [tilespmem:v14+s6+$0x0], $0xffff  }
0x152: {  	v0 =	vld.idx.msk [tilespmem:v15+s6+$0x0], $0xffff  }
0x153: {  	v15 =	vld [tilespmem:s19+$0xE000]  }
0x154: {  	v14 =	vld [tilespmem:s14+$0xE000]  }
0x155: {  	v21 =	vld [tilespmem:s12+$0xE010];
	v11 =	vmul.f32 v12, v11  }
0x156: {  	v22 =	vld [tilespmem:s12+$0xE020];
	v17 =	vmul.f32 v13, v17  }
0x157: {  	[tilespmem:s20+$0x16000] =	vst v11;
	v13 =	vld [tilespmem:s12+$0xE030];
	v16 =	vmul.f32 v16, v9  }
0x158: {  	v12 =	vld [tilespmem:s12+$0xE040];
	[tilespmem:s15+$0x16000] =	vst v17;
	v15 =	vmul.f32 v15, v19  }
0x159: {  	v11 =	vld [tilespmem:s12+$0xE050];
	[tilespmem:s12+$0x16000] =	vst v16;
	v14 =	vmul.f32 v14, v18  }
0x15a: {  	v9 =	vld [tilespmem:s12+$0xE400];
	[tilespmem:s19+$0x16000] =	vst v15;
	v15 =	vmul.f32 v21, v10  }
0x15b: {  	s15 =	simm.s32 $0x1;
	[tilespmem:s14+$0x16000] =	vst v14;
	s14 =	simm.s32 $0x0;
	v14 =	vmul.f32 v22, v20;
	v10 =	vld [tilespmem:s12+$0xE410];
	s19 =	simm.s32 $0x0  }
.LBB2_7:
0x15c: {  	s8 =	sand.u32 $0x3, s15;
	s14 =	sadd.s32 $0x10, s14;
	[tilespmem:s12+$0x16010] =	vst v15;
	v8 =	vmul.f32 v13, v8;
	v13 =	vld [tilespmem:s12+$0xE420];
	s13 =	sadd.s32 $0x800, s13  }
0x15d: {  	s19 =	sadd.s32 $0x20, s19;
	s8 =	sshll.u32 s8, $0xB;
	p2 =	slt.u32 s14, $0x1F0;
	[tilespmem:s12+$0x16020] =	vst v14;
	v7 =	vmul.f32 v12, v7;
	v12 =	vld [tilespmem:s12+$0xE430]  }
0x15e: {  	s9 =	sand.u32 $0x1800, s13;
	s24 =	sand.u32 $0x380, s19;
	s8 =	sadd.s32 s8, s19;
	[tilespmem:s12+$0x16030] =	vst v8;
	v6 =	vmul.f32 v11, v6;
	v8 =	vld [tilespmem:s12+$0xE440]  }
0x15f: {  	s25 =	sor.u32 $0x60, s8;
	s20 =	sor.u32 $0x70, s8;
	s26 =	sor.u32 $0x470, s8;
	[tilespmem:s12+$0x16040] =	vst v7;
	v5 =	vmul.f32 v9, v5;
	v7 =	vld [tilespmem:s12+$0xE450]  }
0x160: {  	s9 =	sor.u32 s24, s9;
	s24 =	sor.u32 $0x460, s8;
	v9 =	vld [tilespmem:s26+$0x6000];
	[tilespmem:s12+$0x16050] =	vst v6;
	v4 =	vmul.f32 v10, v4  }
0x161: {  	v6 =	vld [tilespmem:s25+$0x6000];
	[tilespmem:s12+$0x16400] =	vst v5;
	v3 =	vmul.f32 v13, v3  }
0x162: {  	v5 =	vld [tilespmem:s20+$0x6000];
	[tilespmem:s12+$0x16410] =	vst v4;
	v2 =	vmul.f32 v12, v2  }
0x163: {  	v4 =	vld [tilespmem:s24+$0x6000];
	[tilespmem:s12+$0x16420] =	vst v3;
	v1 =	vmul.f32 v8, v1  }
0x164: {  	v3 =	vld [tilespmem:s9+$0x6000];
	[tilespmem:s12+$0x16430] =	vst v2;
	v0 =	vmul.f32 v7, v0  }
0x165: {  	v2 =	vld [tilespmem:s9+$0x6010];
	vm0 =	vgt.s32 v9, $0x0;
	[tilespmem:s12+$0x16440] =	vst v1  }
0x166: {  	v1 =	vld [tilespmem:s9+$0x6020];
	vm1 =	vgt.s32 v6, $0x0;
	v7 =	vnsel vm0, $0x0, v9;
	[tilespmem:s12+$0x16450] =	vst v0;
	s12 =	smov.u32 s9  }
0x167: {  	v0 =	vld [tilespmem:s12+$0x6030];
	v6 =	vnsel vm1, $0x0, v6;
	vm0 =	vgt.s32 v5, $0x0  }
0x168: {  	v8 =	vld [tilespmem:s12+$0x6040];
	v5 =	vnsel vm0, $0x0, v5;
	vm0 =	vgt.s32 v4, $0x0  }
0x169: {  	vm1 =	vgt.s32 v3, $0x0;
	v9 =	vld [tilespmem:s12+$0x6050];
	v4 =	vnsel vm0, $0x0, v4  }
0x16a: {  	v3 =	vnsel vm1, $0x0, v3;
	vm0 =	vgt.s32 v2, $0x0;
	v10 =	vld [tilespmem:s12+$0x6400]  }
0x16b: {  	v2 =	vnsel vm0, $0x0, v2;
	vm0 =	vgt.s32 v1, $0x0;
	v7 =	vld.idx.msk [tilespmem:v7+s6+$0x0], $0xffff  }
0x16c: {  	v1 =	vnsel vm0, $0x0, v1;
	vm0 =	vgt.s32 v0, $0x0;
	v11 =	vld [tilespmem:s26+$0xE000]  }
0x16d: {  	v0 =	vnsel vm0, $0x0, v0;
	vm0 =	vgt.s32 v8, $0x0;
	v12 =	vld [tilespmem:s12+$0x6410]  }
0x16e: {  	v13 =	vnsel vm0, $0x0, v8;
	vm0 =	vgt.s32 v9, $0x0;
	v8 =	vld [tilespmem:s12+$0x6420]  }
0x16f: {  	v9 =	vnsel vm0, $0x0, v9;
	vm0 =	vgt.s32 v10, $0x0;
	v14 =	vld [tilespmem:s12+$0x6430]  }
0x170: {  	v10 =	vnsel vm0, $0x0, v10;
	v15 =	vld [tilespmem:s12+$0x6440]  }
0x171: {  	v16 =	vld [tilespmem:s12+$0x6450];
	v7 =	vmul.f32 v11, v7  }
0x172: {  	v11 =	vld.idx.msk [tilespmem:v6+s6+$0x0], $0xffff;
	vm0 =	vgt.s32 v12, $0x0  }
0x173: {  	v17 =	vld.idx.msk [tilespmem:v5+s6+$0x0], $0xffff;
	v12 =	vnsel vm0, $0x0, v12;
	vm0 =	vgt.s32 v8, $0x0;
	[tilespmem:s26+$0x16000] =	vst v7  }
0x174: {  	v18 =	vnsel vm0, $0x0, v8;
	vm0 =	vgt.s32 v14, $0x0;
	v19 =	vld.idx.msk [tilespmem:v4+s6+$0x0], $0xffff  }
0x175: {  	v20 =	vld.idx.msk [tilespmem:v3+s6+$0x0], $0xffff;
	v14 =	vnsel vm0, $0x0, v14;
	vm0 =	vgt.s32 v15, $0x0  }
0x176: {  	v21 =	vld.idx.msk [tilespmem:v2+s6+$0x0], $0xffff;
	v15 =	vnsel vm0, $0x0, v15;
	vm0 =	vgt.s32 v16, $0x0  }
0x177: {  	v22 =	vld.idx.msk [tilespmem:v1+s6+$0x0], $0xffff;
	v16 =	vnsel vm0, $0x0, v16  }
0x178: {  	v8 =	vld.idx.msk [tilespmem:v0+s6+$0x0], $0xffff  }
0x179: {  	v7 =	vld.idx.msk [tilespmem:v13+s6+$0x0], $0xffff  }
0x17a: {  	v6 =	vld.idx.msk [tilespmem:v9+s6+$0x0], $0xffff  }
0x17b: {  	v5 =	vld.idx.msk [tilespmem:v10+s6+$0x0], $0xffff  }
0x17c: {  	v4 =	vld.idx.msk [tilespmem:v12+s6+$0x0], $0xffff  }
0x17d: {  	v3 =	vld.idx.msk [tilespmem:v18+s6+$0x0], $0xffff  }
0x17e: {  	v2 =	vld.idx.msk [tilespmem:v14+s6+$0x0], $0xffff  }
0x17f: {  	v1 =	vld.idx.msk [tilespmem:v15+s6+$0x0], $0xffff  }
0x180: {  	v0 =	vld.idx.msk [tilespmem:v16+s6+$0x0], $0xffff  }
0x181: {  	v9 =	vld [tilespmem:s25+$0xE000]  }
0x182: {  	v10 =	vld [tilespmem:s20+$0xE000]  }
0x183: {  	v14 =	vld [tilespmem:s24+$0xE000]  }
0x184: {  	v15 =	vld [tilespmem:s12+$0xE000]  }
0x185: {  	v16 =	vld [tilespmem:s12+$0xE010]  }
0x186: {  	v18 =	vld [tilespmem:s12+$0xE020];
	v9 =	vmul.f32 v9, v11  }
.Ltmp4:
0x187: {  	v13 =	vld [tilespmem:s12+$0xE030];
	v10 =	vmul.f32 v10, v17;
	(pc) =	sbr.rel @p2 .LBB2_7-.Ltmp4, $4  }
0x188: {  	v12 =	vld [tilespmem:s12+$0xE040];
	[tilespmem:s25+$0x16000] =	vst v9;
	v14 =	vmul.f32 v14, v19  }
0x189: {  	v17 =	vmul.f32 v15, v20;
	v11 =	vld [tilespmem:s12+$0xE050];
	[tilespmem:s20+$0x16000] =	vst v10  }
0x18a: {  	v15 =	vmul.f32 v16, v21;
	v9 =	vld [tilespmem:s12+$0xE400];
	[tilespmem:s24+$0x16000] =	vst v14  }
0x18b: {  	s15 =	sadd.s32 $0x1, s15;
	[tilespmem:s12+$0x16000] =	vst v17;
	v14 =	vmul.f32 v18, v22;
	v10 =	vld [tilespmem:s12+$0xE410]  }
0x18c: {  	[tilespmem:s12+$0x16010] =	vst v15;
	v8 =	vmul.f32 v13, v8;
	v13 =	vld [tilespmem:s12+$0xE420]  }
0x18d: {  	[tilespmem:s12+$0x16020] =	vst v14;
	v7 =	vmul.f32 v12, v7;
	v12 =	vld [tilespmem:s12+$0xE430]  }
0x18e: {  	[tilespmem:s12+$0x16030] =	vst v8;
	v6 =	vmul.f32 v11, v6;
	v8 =	vld [tilespmem:s12+$0xE440]  }
0x18f: {  	[tilespmem:s12+$0x16040] =	vst v7;
	v5 =	vmul.f32 v9, v5;
	v7 =	vld [tilespmem:s12+$0xE450]  }
0x190: {  	[tilespmem:s12+$0x16050] =	vst v6;
	v4 =	vmul.f32 v10, v4  }
0x191: {  	[tilespmem:s12+$0x16400] =	vst v5;
	v3 =	vmul.f32 v13, v3  }
0x192: {  	[tilespmem:s12+$0x16410] =	vst v4;
	v2 =	vmul.f32 v12, v2  }
0x193: {  	[tilespmem:s12+$0x16420] =	vst v3;
	v1 =	vmul.f32 v8, v1  }
0x194: {  	[tilespmem:s12+$0x16430] =	vst v2;
	v0 =	vmul.f32 v7, v0  }
0x195: {  	[tilespmem:s12+$0x16440] =	vst v1  }
0x196: {  	s8 =	sadd.s32 s11, s17;
	[tilespmem:s12+$0x16450] =	vst v0  }
0x197: {  	[hbm4b:s8+s6] =	stream.linear.scatter [tilespmem:s21], [sflag:$0x7], $0x2000, $0x38;
	[tilespmem:$0x1A000] =	vst v63  }
0x198: {  	s8 =	sadd.s32 @!p1 $0x1800, s11  }
0x199: {  	s13 =	simm.s32 @!p1 $0x6000;
	s12 =	simm.s32 @!p1 $0x0;
	s9 =	sadd.s32 @!p1 s2, s8  }
0x19a: {  	[tilespmem:s13], [sflag:$0x3] =	stream.linear.gather @!p1 [hbm4b:s9+s12], $0x2000, $0x38;
	[tilespmem:$0x1A000] =	vst v63  }
0x19b: {  	s8 =	sadd.s32 @!p1 s3, s8;
	s9 =	simm.s32 @!p1 $0xE000  }
0x19c: {  	[tilespmem:s9], [sflag:$0x3] =	stream.linear.gather @!p1 [hbm4b:s8+s12], $0x2000, $0x38;
	[tilespmem:$0x1A000] =	vst v63  }
0x19d: {  	_ =	swait.ge [sflag:s22], $0x2000  }
0x19e: {  	[sflag:s22] =	ssyncset.done $0x0  }
0x19f: {  	[sflag:s22] =	ssyncadd.s32 $0xFFFFE000  }
0x1a0: {  	_ =	swait.ge [sflag:s22], $0x2000  }
0x1a1: {  	s13 =	simm.s32 $0x0;
	[sflag:s22] =	ssyncset.done $0x0  }
0x1a2: {  	s24 =	sand.u32 $0x3, s13;
	s8 =	simm.s32 @!p0 $0x8;
	[sflag:s22] =	ssyncadd.s32 $0xFFFFE000  }
0x1a3: {  	s9 =	sshll.u32 s24, $0xB;
	_ =	swait.ge @!p0 [sflag:s8], $0x2000  }
0x1a4: {  	s9 =	sadd.s32 $0x0, s9;
	[sflag:s8] =	ssyncset.done @!p0 $0x0  }
0x1a5: {  	s20 =	sor.u32 $0x470, s9;
	[sflag:s8] =	ssyncadd.s32 @!p0 $0xFFFFE000  }
0x1a6: {  	s15 =	sor.u32 $0x60, s9;
	v0 =	vld [tilespmem:s20+$0x8000]  }
0x1a7: {  	s14 =	sor.u32 $0x70, s9;
	v1 =	vld [tilespmem:s15+$0x8000]  }
0x1a8: {  	s25 =	sand.u32 $0x1800, s13;
	s26 =	sand.u32 $0x380, s13;
	s19 =	sor.u32 $0x460, s9;
	v2 =	vld [tilespmem:s14+$0x8000]  }
0x1a9: {  	s12 =	sor.u32 s26, s25;
	v3 =	vld [tilespmem:s19+$0x8000]  }
0x1aa: {  	v4 =	vld [tilespmem:s12+$0x8000]  }
0x1ab: {  	v5 =	vld [tilespmem:s12+$0x8010]  }
0x1ac: {  	v6 =	vld [tilespmem:s12+$0x8020]  }
0x1ad: {  	v7 =	vld [tilespmem:s12+$0x8030]  }
0x1ae: {  	v8 =	vld [tilespmem:s12+$0x8040]  }
0x1af: {  	v9 =	vld [tilespmem:s12+$0x8050]  }
0x1b0: {  	v10 =	vld [tilespmem:s12+$0x8400];
	vm0 =	vgt.s32 v0, $0x0  }
0x1b1: {  	v12 =	vld [tilespmem:s20+$0x10000];
	v0 =	vnsel vm0, $0x0, v0  }
0x1b2: {  	v13 =	vld [tilespmem:s12+$0x8420];
	vm15 =	vgt.s32 v2, $0x0  }
0x1b3: {  	v14 =	vld [tilespmem:s12+$0x8430];
	vm4 =	vgt.s32 v3, $0x0;
	v2 =	vnsel vm15, $0x0, v2  }
0x1b4: {  	v15 =	vld [tilespmem:s12+$0x8440];
	vm1 =	vgt.s32 v4, $0x0;
	v3 =	vnsel vm4, $0x0, v3  }
0x1b5: {  	v16 =	vld [tilespmem:s12+$0x8450];
	vm5 =	vgt.s32 v5, $0x0;
	v4 =	vnsel vm1, $0x0, v4  }
0x1b6: {  	vm14 =	vgt.s32 v1, $0x0;
	v5 =	vnsel vm5, $0x0, v5;
	v11 =	vld.idx.msk [tilespmem:v0+s6+$0x0], $0xffff  }
0x1b7: {  	vm6 =	vgt.s32 v6, $0x0;
	v0 =	vnsel vm14, $0x0, v1;
	v1 =	vld [tilespmem:s12+$0x8410]  }
0x1b8: {  	vm8 =	vgt.s32 v8, $0x0;
	v6 =	vnsel vm6, $0x0, v6;
	v18 =	vld.idx.msk [tilespmem:v2+s6+$0x0], $0xffff  }
0x1b9: {  	vm9 =	vgt.s32 v9, $0x0;
	v2 =	vnsel vm8, $0x0, v8;
	v19 =	vld.idx.msk [tilespmem:v3+s6+$0x0], $0xffff  }
0x1ba: {  	vm10 =	vgt.s32 v10, $0x0;
	v3 =	vnsel vm9, $0x0, v9;
	v9 =	vld.idx.msk [tilespmem:v4+s6+$0x0], $0xffff  }
0x1bb: {  	vm7 =	vgt.s32 v7, $0x0;
	v4 =	vnsel vm10, $0x0, v10;
	v10 =	vld.idx.msk [tilespmem:v5+s6+$0x0], $0xffff  }
0x1bc: {  	vm12 =	vgt.s32 v13, $0x0;
	v17 =	vld.idx.msk [tilespmem:v0+s6+$0x0], $0xffff;
	v0 =	vnsel vm7, $0x0, v7  }
0x1bd: {  	v13 =	vnsel vm12, $0x0, v13;
	v20 =	vld.idx.msk [tilespmem:v6+s6+$0x0], $0xffff  }
0x1be: {  	v7 =	vld.idx.msk [tilespmem:v2+s6+$0x0], $0xffff  }
0x1bf: {  	vm11 =	vgt.s32 v1, $0x0;
	v6 =	vld.idx.msk [tilespmem:v3+s6+$0x0], $0xffff  }
0x1c0: {  	vm13 =	vgt.s32 v14, $0x0;
	v5 =	vld.idx.msk [tilespmem:v4+s6+$0x0], $0xffff;
	v1 =	vnsel vm11, $0x0, v1  }
0x1c1: {  	vm14 =	vgt.s32 v15, $0x0;
	v8 =	vld.idx.msk [tilespmem:v0+s6+$0x0], $0xffff;
	v0 =	vnsel vm13, $0x0, v14  }
0x1c2: {  	vm15 =	vgt.s32 v16, $0x0;
	v3 =	vld.idx.msk [tilespmem:v13+s6+$0x0], $0xffff;
	v14 =	vnsel vm14, $0x0, v15  }
0x1c3: {  	v13 =	vld [tilespmem:s15+$0x10000];
	v15 =	vnsel vm15, $0x0, v16  }
0x1c4: {  	v16 =	vld [tilespmem:s12+$0x10000]  }
0x1c5: {  	v4 =	vld.idx.msk [tilespmem:v1+s6+$0x0], $0xffff  }
0x1c6: {  	v2 =	vld.idx.msk [tilespmem:v0+s6+$0x0], $0xffff  }
0x1c7: {  	v1 =	vld.idx.msk [tilespmem:v14+s6+$0x0], $0xffff  }
0x1c8: {  	v0 =	vld.idx.msk [tilespmem:v15+s6+$0x0], $0xffff  }
0x1c9: {  	v15 =	vld [tilespmem:s19+$0x10000]  }
0x1ca: {  	v14 =	vld [tilespmem:s14+$0x10000]  }
0x1cb: {  	v21 =	vld [tilespmem:s12+$0x10010];
	v11 =	vmul.f32 v12, v11  }
0x1cc: {  	v22 =	vld [tilespmem:s12+$0x10020];
	v17 =	vmul.f32 v13, v17  }
0x1cd: {  	[tilespmem:s20+$0x18000] =	vst v11;
	v13 =	vld [tilespmem:s12+$0x10030];
	v16 =	vmul.f32 v16, v9  }
0x1ce: {  	v12 =	vld [tilespmem:s12+$0x10040];
	[tilespmem:s15+$0x18000] =	vst v17;
	v15 =	vmul.f32 v15, v19  }
0x1cf: {  	v11 =	vld [tilespmem:s12+$0x10050];
	[tilespmem:s12+$0x18000] =	vst v16;
	v14 =	vmul.f32 v14, v18  }
0x1d0: {  	v9 =	vld [tilespmem:s12+$0x10400];
	[tilespmem:s19+$0x18000] =	vst v15;
	v15 =	vmul.f32 v21, v10  }
0x1d1: {  	s15 =	simm.s32 $0x1;
	[tilespmem:s14+$0x18000] =	vst v14;
	s14 =	simm.s32 $0x0;
	v14 =	vmul.f32 v22, v20;
	v10 =	vld [tilespmem:s12+$0x10410];
	s19 =	simm.s32 $0x0  }
.LBB2_9:
0x1d2: {  	s8 =	sand.u32 $0x3, s15;
	s14 =	sadd.s32 $0x10, s14;
	[tilespmem:s12+$0x18010] =	vst v15;
	v8 =	vmul.f32 v13, v8;
	v13 =	vld [tilespmem:s12+$0x10420];
	s13 =	sadd.s32 $0x800, s13  }
0x1d3: {  	s19 =	sadd.s32 $0x20, s19;
	s8 =	sshll.u32 s8, $0xB;
	p0 =	slt.u32 s14, $0x1F0;
	[tilespmem:s12+$0x18020] =	vst v14;
	v7 =	vmul.f32 v12, v7;
	v12 =	vld [tilespmem:s12+$0x10430]  }
0x1d4: {  	s9 =	sand.u32 $0x1800, s13;
	s24 =	sand.u32 $0x380, s19;
	s8 =	sadd.s32 s8, s19;
	[tilespmem:s12+$0x18030] =	vst v8;
	v6 =	vmul.f32 v11, v6;
	v8 =	vld [tilespmem:s12+$0x10440]  }
0x1d5: {  	s25 =	sor.u32 $0x60, s8;
	s20 =	sor.u32 $0x70, s8;
	s26 =	sor.u32 $0x470, s8;
	[tilespmem:s12+$0x18040] =	vst v7;
	v5 =	vmul.f32 v9, v5;
	v7 =	vld [tilespmem:s12+$0x10450]  }
0x1d6: {  	s9 =	sor.u32 s24, s9;
	s24 =	sor.u32 $0x460, s8;
	v9 =	vld [tilespmem:s26+$0x8000];
	[tilespmem:s12+$0x18050] =	vst v6;
	v4 =	vmul.f32 v10, v4  }
0x1d7: {  	v6 =	vld [tilespmem:s25+$0x8000];
	[tilespmem:s12+$0x18400] =	vst v5;
	v3 =	vmul.f32 v13, v3  }
0x1d8: {  	v5 =	vld [tilespmem:s20+$0x8000];
	[tilespmem:s12+$0x18410] =	vst v4;
	v2 =	vmul.f32 v12, v2  }
0x1d9: {  	v4 =	vld [tilespmem:s24+$0x8000];
	[tilespmem:s12+$0x18420] =	vst v3;
	v1 =	vmul.f32 v8, v1  }
0x1da: {  	v3 =	vld [tilespmem:s9+$0x8000];
	[tilespmem:s12+$0x18430] =	vst v2;
	v0 =	vmul.f32 v7, v0  }
0x1db: {  	v2 =	vld [tilespmem:s9+$0x8010];
	vm0 =	vgt.s32 v9, $0x0;
	[tilespmem:s12+$0x18440] =	vst v1  }
0x1dc: {  	v1 =	vld [tilespmem:s9+$0x8020];
	vm1 =	vgt.s32 v6, $0x0;
	v7 =	vnsel vm0, $0x0, v9;
	[tilespmem:s12+$0x18450] =	vst v0;
	s12 =	smov.u32 s9  }
0x1dd: {  	v0 =	vld [tilespmem:s12+$0x8030];
	v6 =	vnsel vm1, $0x0, v6;
	vm0 =	vgt.s32 v5, $0x0  }
0x1de: {  	v8 =	vld [tilespmem:s12+$0x8040];
	v5 =	vnsel vm0, $0x0, v5;
	vm0 =	vgt.s32 v4, $0x0  }
0x1df: {  	vm1 =	vgt.s32 v3, $0x0;
	v9 =	vld [tilespmem:s12+$0x8050];
	v4 =	vnsel vm0, $0x0, v4  }
0x1e0: {  	v3 =	vnsel vm1, $0x0, v3;
	vm0 =	vgt.s32 v2, $0x0;
	v10 =	vld [tilespmem:s12+$0x8400]  }
0x1e1: {  	v2 =	vnsel vm0, $0x0, v2;
	vm0 =	vgt.s32 v1, $0x0;
	v7 =	vld.idx.msk [tilespmem:v7+s6+$0x0], $0xffff  }
0x1e2: {  	v1 =	vnsel vm0, $0x0, v1;
	vm0 =	vgt.s32 v0, $0x0;
	v11 =	vld [tilespmem:s26+$0x10000]  }
0x1e3: {  	v0 =	vnsel vm0, $0x0, v0;
	vm0 =	vgt.s32 v8, $0x0;
	v12 =	vld [tilespmem:s12+$0x8410]  }
0x1e4: {  	v13 =	vnsel vm0, $0x0, v8;
	vm0 =	vgt.s32 v9, $0x0;
	v8 =	vld [tilespmem:s12+$0x8420]  }
0x1e5: {  	v9 =	vnsel vm0, $0x0, v9;
	vm0 =	vgt.s32 v10, $0x0;
	v14 =	vld [tilespmem:s12+$0x8430]  }
0x1e6: {  	v10 =	vnsel vm0, $0x0, v10;
	v15 =	vld [tilespmem:s12+$0x8440]  }
0x1e7: {  	v16 =	vld [tilespmem:s12+$0x8450];
	v7 =	vmul.f32 v11, v7  }
0x1e8: {  	v11 =	vld.idx.msk [tilespmem:v6+s6+$0x0], $0xffff;
	vm0 =	vgt.s32 v12, $0x0  }
0x1e9: {  	v17 =	vld.idx.msk [tilespmem:v5+s6+$0x0], $0xffff;
	v12 =	vnsel vm0, $0x0, v12;
	vm0 =	vgt.s32 v8, $0x0;
	[tilespmem:s26+$0x18000] =	vst v7  }
0x1ea: {  	v18 =	vnsel vm0, $0x0, v8;
	vm0 =	vgt.s32 v14, $0x0;
	v19 =	vld.idx.msk [tilespmem:v4+s6+$0x0], $0xffff  }
0x1eb: {  	v20 =	vld.idx.msk [tilespmem:v3+s6+$0x0], $0xffff;
	v14 =	vnsel vm0, $0x0, v14;
	vm0 =	vgt.s32 v15, $0x0  }
0x1ec: {  	v21 =	vld.idx.msk [tilespmem:v2+s6+$0x0], $0xffff;
	v15 =	vnsel vm0, $0x0, v15;
	vm0 =	vgt.s32 v16, $0x0  }
0x1ed: {  	v22 =	vld.idx.msk [tilespmem:v1+s6+$0x0], $0xffff;
	v16 =	vnsel vm0, $0x0, v16  }
0x1ee: {  	v8 =	vld.idx.msk [tilespmem:v0+s6+$0x0], $0xffff  }
0x1ef: {  	v7 =	vld.idx.msk [tilespmem:v13+s6+$0x0], $0xffff  }
0x1f0: {  	v6 =	vld.idx.msk [tilespmem:v9+s6+$0x0], $0xffff  }
0x1f1: {  	v5 =	vld.idx.msk [tilespmem:v10+s6+$0x0], $0xffff  }
0x1f2: {  	v4 =	vld.idx.msk [tilespmem:v12+s6+$0x0], $0xffff  }
0x1f3: {  	v3 =	vld.idx.msk [tilespmem:v18+s6+$0x0], $0xffff  }
0x1f4: {  	v2 =	vld.idx.msk [tilespmem:v14+s6+$0x0], $0xffff  }
0x1f5: {  	v1 =	vld.idx.msk [tilespmem:v15+s6+$0x0], $0xffff  }
0x1f6: {  	v0 =	vld.idx.msk [tilespmem:v16+s6+$0x0], $0xffff  }
0x1f7: {  	v9 =	vld [tilespmem:s25+$0x10000]  }
0x1f8: {  	v10 =	vld [tilespmem:s20+$0x10000]  }
0x1f9: {  	v14 =	vld [tilespmem:s24+$0x10000]  }
0x1fa: {  	v15 =	vld [tilespmem:s12+$0x10000]  }
0x1fb: {  	v16 =	vld [tilespmem:s12+$0x10010]  }
0x1fc: {  	v18 =	vld [tilespmem:s12+$0x10020];
	v9 =	vmul.f32 v9, v11  }
.Ltmp5:
0x1fd: {  	v13 =	vld [tilespmem:s12+$0x10030];
	v10 =	vmul.f32 v10, v17;
	(pc) =	sbr.rel @p0 .LBB2_9-.Ltmp5, $4  }
0x1fe: {  	v12 =	vld [tilespmem:s12+$0x10040];
	[tilespmem:s25+$0x18000] =	vst v9;
	v14 =	vmul.f32 v14, v19  }
0x1ff: {  	v17 =	vmul.f32 v15, v20;
	v11 =	vld [tilespmem:s12+$0x10050];
	[tilespmem:s20+$0x18000] =	vst v10  }
0x200: {  	v15 =	vmul.f32 v16, v21;
	v9 =	vld [tilespmem:s12+$0x10400];
	[tilespmem:s24+$0x18000] =	vst v14  }
0x201: {  	s15 =	sadd.s32 $0x1, s15;
	[tilespmem:s12+$0x18000] =	vst v17;
	v14 =	vmul.f32 v18, v22;
	v10 =	vld [tilespmem:s12+$0x10410]  }
0x202: {  	[tilespmem:s12+$0x18010] =	vst v15;
	v8 =	vmul.f32 v13, v8;
	v60 =	vld [tilespmem:s12+$0x10420]  }
0x203: {  	v61 =	vld [tilespmem:s12+$0x10430];
	[tilespmem:s12+$0x18020] =	vst v14;
	v7 =	vmul.f32 v12, v7  }
0x204: {  	v62 =	vld [tilespmem:s12+$0x10440];
	[tilespmem:s12+$0x18030] =	vst v8;
	v6 =	vmul.f32 v11, v6  }
0x205: {  	v63 =	vld [tilespmem:s12+$0x10450];
	[tilespmem:s12+$0x18040] =	vst v7;
	v5 =	vmul.f32 v9, v5  }
0x206: {  	[tilespmem:s12+$0x18050] =	vst v6;
	v4 =	vmul.f32 v10, v4  }
0x207: {  	[tilespmem:s12+$0x18400] =	vst v5;
	v3 =	vmul.f32 v60, v3  }
0x208: {  	v2 =	vmul.f32 v61, v2;
	[tilespmem:s12+$0x18410] =	vst v4  }
.Ltmp6:
0x209: {  	v1 =	vmul.f32 v62, v1;
	[tilespmem:s12+$0x18420] =	vst v3;
	(pc) =	sbr.rel @p1 .LBB2_12-.Ltmp6, $4  }
0x20a: {  	v0 =	vmul.f32 v63, v0;
	[tilespmem:s12+$0x18430] =	vst v2  }
0x20b: {  	[tilespmem:s12+$0x18440] =	vst v1  }
0x20c: {  	s8 =	sadd.s32 s11, s18;
	[tilespmem:s12+$0x18450] =	vst v0  }
0x20d: {  	[hbm4b:s8+s6] =	stream.linear.scatter [tilespmem:s23], [sflag:$0x8], $0x2000, $0x38;
	[tilespmem:$0x1A000] =	vst v63  }
.Ltmp7:
0x20e: {  	s8 =	sadd.s32 $0x1C00, s11;
	(pc) =	sbr.rel .LBB2_2-.Ltmp7, $4  }
0x20f: {  	s9 =	sadd.s32 s2, s8  }
0x210: {  	[tilespmem:s28], [sflag:$0x4] =	stream.linear.gather [hbm4b:s9+s6], $0x2000, $0x38;
	[tilespmem:$0x1A000] =	vst v63  }
0x211: {  	s10 =	sadd.s32 $0x1, s10;
	s8 =	sadd.s32 s3, s8  }
0x212: {  	[tilespmem:s29], [sflag:$0x4] =	stream.linear.gather [hbm4b:s8+s6], $0x2000, $0x38;
	[tilespmem:$0x1A000] =	vst v63  }
.LBB2_13:
0x213: {  	_ =	sfence.sel $0x180000  }
0x214: {  	[bflag:$0x0] =	sbarrier.arrive $0xFFFF  }
0x215: {  	_ =	strace $0x90000047  }
0x216: {  	s0 =	stileid.u32;
	[bflag:$0x2] =	sbarrier.arrive $0xFFFF  }
0x217: {  	p0 =	sne.s32 s0, $0x0;
	s0 =	rddreg [dreg:$0x4]  }
0x218: {  	s0 =	sadd.s32 @!p0 $0x100000, s0  }
0x219: {  	[sflag:s0] =	ssyncadd.tile.s32 @!p0 $0x1;
	_ =	shalt  }
.Lfunc_end2:
_tile_overlayer_lowered:
.L_overlay_start_2:
0x21a: {  	(tag) =	ssettag $0x2  }
0x21b: {  	s0 =	rddreg [dreg:$0x0];
	s2 =	stileid.u32  }
0x21c: {  	s1 =	rddreg [dreg:$0x1];
	p0 =	sne.s32 s2, $0x0  }
0x21d: {  	s3 =	rddreg [dreg:$0x2];
	[bflag:$0x3] =	sbarrier.arrive $0xFFFF;
	s2 =	simm.s32 @!p0 $0x1C09  }
0x21e: {  	[timem:s3], [sflag:s2] =	dma.local @!p0 [hbm:s0], s1  }
0x21f: {  	s0 =	simm.s32 @!p0 $0x9  }
0x220: {  	_ =	swait.ge @!p0 [sflag:s0], s1  }
0x221: {  	s1 =	ssub.s32 @!p0 $0x0, s1;
	[sflag:s0] =	ssyncset.done @!p0 $0x0  }
0x222: {  	[sflag:s0] =	ssyncadd.s32 @!p0 s1  }
0x223: {  	[bflag:$0x3] =	sbarrier.arrive $0xFFFF  }
0x224: {  	_ =	shalt  }

</sc_bundles>
